<compile_context>
chip_gen: v7x
topology: tpu7x:2x2x1
jax: 0.10.2.dev20260603
libtpu: 0.0.44.dev20260713+nightly
codegen_flags: <defaults>
</compile_context>

<pallas_src>
import functools

import jax
import jax.numpy as jnp
from jax import lax
from jax.experimental import pallas as pl
from jax.experimental.pallas import tpu as pltpu
from jax.experimental.pallas import tpu_sc as plsc

N_NODES = 10000
N_EDGES = 320000
D = 128
DH = 64
NT = 16
RPT = 640
NPAD = NT * RPT
RB = 128
K = 128
CHUNKS = 160
CB = 8
EPAD = NT * CHUNKS * K
TRASH = N_NODES


def _sc_aggregate(x_packed, rowp, colp):
    mesh = plsc.VectorSubcoreMesh(core_axis_name="c", subcore_axis_name="s")

    @functools.partial(
        pl.kernel,
        out_type=jax.ShapeDtypeStruct((2 * NPAD, DH), jnp.float32),
        mesh=mesh,
        compiler_params=pltpu.CompilerParams(use_tc_tiling_on_sc=False),
        scratch_types=[
            pltpu.VMEM_SHARED((NPAD, DH), jnp.float32),
            pltpu.VMEM_SHARED((NPAD, DH), jnp.float32),
            pltpu.VMEM_SHARED((NPAD,), jnp.float32),
            pltpu.VMEM((CB, K), jnp.int32),
            pltpu.VMEM((CB, K), jnp.int32),
            pltpu.VMEM((K,), jnp.float32),
            pltpu.VMEM((RPT + 16,), jnp.float32),
            pltpu.VMEM((RB, DH), jnp.float32),
            pltpu.VMEM((K, DH), jnp.float32),
        ],
    )
    def body(x_hbm, rowp_hbm, colp_hbm, out_hbm,
             z_sh, acc_sh, deg_sh, col_v, row_v, ones_v, dis_v, rb_v, g_v):
        c = lax.axis_index("c")
        s = lax.axis_index("s")
        r0 = s * RPT
        h0 = c * NPAD

        one16 = jnp.ones((16,), jnp.float32)
        zero16 = jnp.zeros((16,), jnp.float32)
        for i in range(K // 16):
            ones_v[pl.ds(16 * i, 16)] = one16

        def zero_row(i, _):
            for q in range(DH // 16):
                rb_v[i, pl.ds(16 * q, 16)] = zero16
            return 0
        lax.fori_loop(0, RB, zero_row, 0)
        for b in range(RPT // RB):
            pltpu.sync_copy(rb_v, acc_sh.at[pl.ds(r0 + RB * b, RB), :])

        def zero_deg(i, _):
            dis_v[pl.ds(16 * i, 16)] = zero16
            return 0
        lax.fori_loop(0, (RPT + 16) // 16, zero_deg, 0)
        pltpu.sync_copy(dis_v.at[pl.ds(0, RPT)], deg_sh.at[pl.ds(r0, RPT)])

        plsc.subcore_barrier()

        def deg_block(bk, _):
            pltpu.sync_copy(
                colp_hbm.at[pl.ds(s * CHUNKS + CB * bk, CB), :], col_v)
            for j in range(CB):
                pltpu.sync_copy(ones_v, deg_sh.at[col_v.at[j]], add=True)
            return 0
        lax.fori_loop(0, CHUNKS // CB, deg_block, 0)

        plsc.subcore_barrier()

        pltpu.sync_copy(deg_sh.at[pl.ds(r0, RPT)], dis_v.at[pl.ds(0, RPT)])

        def rsqrt_step(i, _):
            d = jnp.maximum(dis_v[pl.ds(16 * i, 16)], 1.0)
            y = 1.0 / d
            for _ in range(22):
                y = y * (1.5 - 0.5 * d * y * y)
            dis_v[pl.ds(16 * i, 16)] = jnp.where(
                dis_v[pl.ds(16 * i, 16)] > 0.5, y, 0.0)
            return 0
        lax.fori_loop(0, RPT // 16, rsqrt_step, 0)

        def z_block(b, _):
            pltpu.sync_copy(x_hbm.at[pl.ds(h0 + r0 + RB * b, RB), :], rb_v)

            def scale_row(i, _):
                dv = dis_v[pl.ds(RB * b + i, 16)][0]
                for q in range(DH // 16):
                    sl = pl.ds(16 * q, 16)
                    rb_v[i, sl] = rb_v[i, sl] * dv
                return 0
            lax.fori_loop(0, RB, scale_row, 0)
            pltpu.sync_copy(rb_v, z_sh.at[pl.ds(r0 + RB * b, RB), :])
            return 0
        lax.fori_loop(0, RPT // RB, z_block, 0)

        plsc.subcore_barrier()

        def edge_block(bk, _):
            pltpu.sync_copy(
                colp_hbm.at[pl.ds(s * CHUNKS + CB * bk, CB), :], col_v)
            pltpu.sync_copy(
                rowp_hbm.at[pl.ds(s * CHUNKS + CB * bk, CB), :], row_v)
            for j in range(CB):
                pltpu.sync_copy(z_sh.at[col_v.at[j]], g_v)
                pltpu.sync_copy(g_v, acc_sh.at[row_v.at[j]], add=True)
            return 0
        lax.fori_loop(0, CHUNKS // CB, edge_block, 0)

        plsc.subcore_barrier()

        def out_block(b, _):
            pltpu.sync_copy(acc_sh.at[pl.ds(r0 + RB * b, RB), :], rb_v)

            def scale_row(i, _):
                dv = dis_v[pl.ds(RB * b + i, 16)][0]
                for q in range(DH // 16):
                    sl = pl.ds(16 * q, 16)
                    rb_v[i, sl] = rb_v[i, sl] * dv
                return 0
            lax.fori_loop(0, RB, scale_row, 0)
            pltpu.sync_copy(
                rb_v, out_hbm.at[pl.ds(h0 + r0 + RB * b, RB), :])
            return 0
        lax.fori_loop(0, RPT // RB, out_block, 0)

    return body(x_packed, rowp, colp)


def _matmul_packed(agg_packed, wt):

    def body(a_lo_ref, a_hi_ref, wt_lo_ref, wt_hi_ref, o_ref):
        o_ref[...] = (
            lax.dot_general(a_lo_ref[...], wt_lo_ref[...],
                            (((1,), (0,)), ((), ())),
                            preferred_element_type=jnp.float32) +
            lax.dot_general(a_hi_ref[...], wt_hi_ref[...],
                            (((1,), (0,)), ((), ())),
                            preferred_element_type=jnp.float32))

    nblk = 8
    rb = NPAD // nblk
    return pl.pallas_call(
        body,
        grid=(nblk,),
        in_specs=[
            pl.BlockSpec((rb, DH), lambda i: (i, 0)),
            pl.BlockSpec((rb, DH), lambda i: (nblk + i, 0)),
            pl.BlockSpec((DH, D), lambda i: (0, 0)),
            pl.BlockSpec((DH, D), lambda i: (1, 0)),
        ],
        out_specs=pl.BlockSpec((rb, D), lambda i: (i, 0)),
        out_shape=jax.ShapeDtypeStruct((NPAD, D), jnp.float32),
    )(agg_packed, agg_packed, wt, wt)


def kernel(x, edge_index, weight):
    x_pad = jnp.pad(x, ((0, NPAD - N_NODES), (0, 0)))
    x_packed = x_pad.reshape(NPAD, 2, DH).transpose(1, 0, 2).reshape(
        2 * NPAD, DH)
    pad = jnp.full((EPAD - N_EDGES,), TRASH, jnp.int32)
    rowp = jnp.concatenate([edge_index[0], pad]).reshape(NT * CHUNKS, K)
    colp = jnp.concatenate([edge_index[1], pad]).reshape(NT * CHUNKS, K)
    agg_packed = _sc_aggregate(x_packed, rowp, colp)
    out_pad = _matmul_packed(agg_packed, weight.T)
    return out_pad[:N_NODES]

# --- scband reference (transcript-rebuilt; emitter-appended) ---
"""Pipeline reference for scband-optimized-e8-layer-40269613367378 (READ-ONLY COPY).

The authoritative reference and input builder live on the scoring server;
editing this copy changes nothing except your own understanding.
"""

import jax, jax.numpy as jnp
import numpy as np

N_NODES = 10000
N_EDGES = 320000
D_IN = 128
D_OUT = 128


def setup_inputs(seed: int = 0) -> dict:
    key = jax.random.key(seed)
    k1, k2, k3 = jax.random.split(key, 3)
    x = jax.random.normal(k1, (N_NODES, D_IN), dtype=jnp.float32)
    edge_index = jax.random.randint(k2, (2, N_EDGES), 0, N_NODES, dtype=jnp.int32)
    # xavier_uniform init for weight of shape (out_features, in_features)
    limit = float(np.sqrt(6.0 / (D_IN + D_OUT)))
    weight = jax.random.uniform(k3, (D_OUT, D_IN), dtype=jnp.float32, minval=-limit, maxval=limit)
    return {"x": x, "edge_index": edge_index, "weight": weight}


def reference(x, edge_index, weight):
    row = edge_index[0]
    col = edge_index[1]
    # degree(col, num_nodes): in-degree computed over destination column
    deg = jnp.zeros((N_NODES,), dtype=jnp.float32).at[col].add(1.0)
    deg_inv_sqrt = jnp.where(deg > 0, deg ** -0.5, 0.0)
    # normalized edge values D^{-1/2} A D^{-1/2}
    values = deg_inv_sqrt[row] * deg_inv_sqrt[col]
    # sparse.mm(adj, x): out[i] = sum_{e: row[e]=i} values[e] * x[col[e]]
    gathered = values[:, None] * jnp.take(x, col, axis=0)
    agg = jnp.zeros((N_NODES, x.shape[1]), dtype=x.dtype).at[row].add(gathered)
    # F.linear(agg, weight) = agg @ weight.T
    return agg @ weight.T

if __name__ == "__main__":
    import jax
    _d = setup_inputs()
    print(jax.jit(kernel)(*tuple(_d.values())))

</pallas_src>

<mosaic_0001>
#map = affine_map<(d0, d1) -> (0, 0)>
module attributes {stable_mosaic.version = 14 : i64} {
  func.func @body(%arg0: i32, %arg1: i32, %arg2: memref<20480x64xf32, #tpu.memory_space<hbm>>, %arg3: memref<2560x128xi32, #tpu.memory_space<hbm>>, %arg4: memref<2560x128xi32, #tpu.memory_space<hbm>>, %arg5: memref<20480x64xf32, #tpu.memory_space<hbm>>, %arg6: memref<10240x64xf32, #tpu.memory_space<vmem_shared>>, %arg7: memref<10240x64xf32, #tpu.memory_space<vmem_shared>>, %arg8: memref<10240xf32, #tpu.memory_space<vmem_shared>>, %arg9: memref<8x128xi32, #tpu.memory_space<vmem>>, %arg10: memref<8x128xi32, #tpu.memory_space<vmem>>, %arg11: memref<128xf32, #tpu.memory_space<vmem>>, %arg12: memref<656xf32, #tpu.memory_space<vmem>>, %arg13: memref<128x64xf32, #tpu.memory_space<vmem>>, %arg14: memref<128x64xf32, #tpu.memory_space<vmem>>) attributes {dimension_semantics = [#tpu.dimension_semantics<core_parallel>, #tpu.dimension_semantics<subcore_parallel>], iteration_bounds = array<i64: 2, 16>, scalar_prefetch = 0 : i64, scratch_operands = 9 : i64, tpu.core_type = #tpu.core_type<sc_vector_subcore>, window_params = [{transform_indices = #map}, {transform_indices = #map}, {transform_indices = #map}, {transform_indices = #map}]} {
    %mul3A = arith.constant 640 : i32
    %mul3A_0 = arith.muli %arg1, %mul3A : i32
    %mul3A_1 = arith.constant 10240 : i32
    %mul3A_2 = arith.muli %arg0, %mul3A_1 : i32
    %broadcast_in_dim3A = arith.constant 1.000000e+00 : f32
    %broadcast_in_dim3A_3 = vector.broadcast %broadcast_in_dim3A : f32 to vector<16xf32>
    %broadcast_in_dim3A_4 = arith.constant 0.000000e+00 : f32
    %broadcast_in_dim3A_5 = vector.broadcast %broadcast_in_dim3A_4 : f32 to vector<16xf32>
    %swap3A = arith.constant 0 : index
    %swap3A_6 = tpu.vector_load %arg11[%swap3A] {strides = array<i32>} : memref<128xf32, #tpu.memory_space<vmem>>, vector<16xf32>,
    %swap3A_7 = vector.shape_cast %swap3A_6 : vector<16xf32> to vector<16xf32>
    %swap3A_8 = vector.shape_cast %broadcast_in_dim3A_3 : vector<16xf32> to vector<16xf32>
    tpu.vector_store %arg11[%swap3A], %swap3A_8 {strides = array<i32>} : memref<128xf32, #tpu.memory_space<vmem>>, vector<16xf32>,
    %swap3A_9 = arith.constant 16 : index
    %swap3A_10 = tpu.vector_load %arg11[%swap3A_9] {strides = array<i32>} : memref<128xf32, #tpu.memory_space<vmem>>, vector<16xf32>,
    %swap3A_11 = vector.shape_cast %swap3A_10 : vector<16xf32> to vector<16xf32>
    %swap3A_12 = vector.shape_cast %broadcast_in_dim3A_3 : vector<16xf32> to vector<16xf32>
    tpu.vector_store %arg11[%swap3A_9], %swap3A_12 {strides = array<i32>} : memref<128xf32, #tpu.memory_space<vmem>>, vector<16xf32>,
    %swap3A_13 = arith.constant 32 : index
    %swap3A_14 = tpu.vector_load %arg11[%swap3A_13] {strides = array<i32>} : memref<128xf32, #tpu.memory_space<vmem>>, vector<16xf32>,
    %swap3A_15 = vector.shape_cast %swap3A_14 : vector<16xf32> to vector<16xf32>
    %swap3A_16 = vector.shape_cast %broadcast_in_dim3A_3 : vector<16xf32> to vector<16xf32>
    tpu.vector_store %arg11[%swap3A_13], %swap3A_16 {strides = array<i32>} : memref<128xf32, #tpu.memory_space<vmem>>, vector<16xf32>,
    %swap3A_17 = arith.constant 48 : index
    %swap3A_18 = tpu.vector_load %arg11[%swap3A_17] {strides = array<i32>} : memref<128xf32, #tpu.memory_space<vmem>>, vector<16xf32>,
    %swap3A_19 = vector.shape_cast %swap3A_18 : vector<16xf32> to vector<16xf32>
    %swap3A_20 = vector.shape_cast %broadcast_in_dim3A_3 : vector<16xf32> to vector<16xf32>
    tpu.vector_store %arg11[%swap3A_17], %swap3A_20 {strides = array<i32>} : memref<128xf32, #tpu.memory_space<vmem>>, vector<16xf32>,
    %swap3A_21 = arith.constant 64 : index
    %swap3A_22 = tpu.vector_load %arg11[%swap3A_21] {strides = array<i32>} : memref<128xf32, #tpu.memory_space<vmem>>, vector<16xf32>,
    %swap3A_23 = vector.shape_cast %swap3A_22 : vector<16xf32> to vector<16xf32>
    %swap3A_24 = vector.shape_cast %broadcast_in_dim3A_3 : vector<16xf32> to vector<16xf32>
    tpu.vector_store %arg11[%swap3A_21], %swap3A_24 {strides = array<i32>} : memref<128xf32, #tpu.memory_space<vmem>>, vector<16xf32>,
    %swap3A_25 = arith.constant 80 : index
    %swap3A_26 = tpu.vector_load %arg11[%swap3A_25] {strides = array<i32>} : memref<128xf32, #tpu.memory_space<vmem>>, vector<16xf32>,
    %swap3A_27 = vector.shape_cast %swap3A_26 : vector<16xf32> to vector<16xf32>
    %swap3A_28 = vector.shape_cast %broadcast_in_dim3A_3 : vector<16xf32> to vector<16xf32>
    tpu.vector_store %arg11[%swap3A_25], %swap3A_28 {strides = array<i32>} : memref<128xf32, #tpu.memory_space<vmem>>, vector<16xf32>,
    %swap3A_29 = arith.constant 96 : index
    %swap3A_30 = tpu.vector_load %arg11[%swap3A_29] {strides = array<i32>} : memref<128xf32, #tpu.memory_space<vmem>>, vector<16xf32>,
    %swap3A_31 = vector.shape_cast %swap3A_30 : vector<16xf32> to vector<16xf32>
    %swap3A_32 = vector.shape_cast %broadcast_in_dim3A_3 : vector<16xf32> to vector<16xf32>
    tpu.vector_store %arg11[%swap3A_29], %swap3A_32 {strides = array<i32>} : memref<128xf32, #tpu.memory_space<vmem>>, vector<16xf32>,
    %swap3A_33 = arith.constant 112 : index
    %swap3A_34 = tpu.vector_load %arg11[%swap3A_33] {strides = array<i32>} : memref<128xf32, #tpu.memory_space<vmem>>, vector<16xf32>,
    %swap3A_35 = vector.shape_cast %swap3A_34 : vector<16xf32> to vector<16xf32>
    %swap3A_36 = vector.shape_cast %broadcast_in_dim3A_3 : vector<16xf32> to vector<16xf32>
    tpu.vector_store %arg11[%swap3A_33], %swap3A_36 {strides = array<i32>} : memref<128xf32, #tpu.memory_space<vmem>>, vector<16xf32>,
    %scan3A = arith.constant 0 : i32
    %scan3A_37 = arith.constant 0 : i32
    %scan3A_38 = arith.constant 128 : i32
    %scan3A_39 = arith.addi %scan3A_37, %scan3A_38 : i32
    %scan3A_40 = arith.constant 1 : i32
    %scan3A_41 = scf.for %scan3A_97 = %scan3A_37 to %scan3A_39 step %scan3A_40 iter_args(%scan3A_98 = %scan3A) -> (i32)  : i32 {
      %swap3A_99 = arith.index_cast %scan3A_97 : i32 to index
      %swap3A_100 = arith.constant 0 : index
      %swap3A_101 = tpu.vector_load %arg13[%swap3A_99, %swap3A_100] {strides = array<i32>} : memref<128x64xf32, #tpu.memory_space<vmem>>, vector<1x16xf32>,
      %swap3A_102 = vector.shape_cast %swap3A_101 : vector<1x16xf32> to vector<16xf32>
      %swap3A_103 = vector.shape_cast %broadcast_in_dim3A_5 : vector<16xf32> to vector<1x16xf32>
      tpu.vector_store %arg13[%swap3A_99, %swap3A_100], %swap3A_103 {strides = array<i32>} : memref<128x64xf32, #tpu.memory_space<vmem>>, vector<1x16xf32>,
      %swap3A_104 = arith.index_cast %scan3A_97 : i32 to index
      %swap3A_105 = arith.constant 16 : index
      %swap3A_106 = tpu.vector_load %arg13[%swap3A_104, %swap3A_105] {strides = array<i32>} : memref<128x64xf32, #tpu.memory_space<vmem>>, vector<1x16xf32>,
      %swap3A_107 = vector.shape_cast %swap3A_106 : vector<1x16xf32> to vector<16xf32>
      %swap3A_108 = vector.shape_cast %broadcast_in_dim3A_5 : vector<16xf32> to vector<1x16xf32>
      tpu.vector_store %arg13[%swap3A_104, %swap3A_105], %swap3A_108 {strides = array<i32>} : memref<128x64xf32, #tpu.memory_space<vmem>>, vector<1x16xf32>,
      %swap3A_109 = arith.index_cast %scan3A_97 : i32 to index
      %swap3A_110 = arith.constant 32 : index
      %swap3A_111 = tpu.vector_load %arg13[%swap3A_109, %swap3A_110] {strides = array<i32>} : memref<128x64xf32, #tpu.memory_space<vmem>>, vector<1x16xf32>,
      %swap3A_112 = vector.shape_cast %swap3A_111 : vector<1x16xf32> to vector<16xf32>
      %swap3A_113 = vector.shape_cast %broadcast_in_dim3A_5 : vector<16xf32> to vector<1x16xf32>
      tpu.vector_store %arg13[%swap3A_109, %swap3A_110], %swap3A_113 {strides = array<i32>} : memref<128x64xf32, #tpu.memory_space<vmem>>, vector<1x16xf32>,
      %swap3A_114 = arith.index_cast %scan3A_97 : i32 to index
      %swap3A_115 = arith.constant 48 : index
      %swap3A_116 = tpu.vector_load %arg13[%swap3A_114, %swap3A_115] {strides = array<i32>} : memref<128x64xf32, #tpu.memory_space<vmem>>, vector<1x16xf32>,
      %swap3A_117 = vector.shape_cast %swap3A_116 : vector<1x16xf32> to vector<16xf32>
      %swap3A_118 = vector.shape_cast %broadcast_in_dim3A_5 : vector<16xf32> to vector<1x16xf32>
      tpu.vector_store %arg13[%swap3A_114, %swap3A_115], %swap3A_118 {strides = array<i32>} : memref<128x64xf32, #tpu.memory_space<vmem>>, vector<1x16xf32>,
      %scan3A_119 = arith.constant 0 : i32
      scf.yield %scan3A_119 : i32
    }
    %scan3A_42 = arith.constant 128 : i32
    %add3A = arith.constant 0 : i32
    %add3A_43 = arith.addi %mul3A_0, %add3A : i32
    "tpu.region"() ({
      %run_scoped3A = tpu.sem_alloc : memref<!tpu.dma_semaphore, #tpu.memory_space<semaphore_mem>>
      %dma_start3A = arith.constant 0 : i32
      %dma_start3A_97 = tpu.memref_slice %arg7[%add3A_43, %dma_start3A] : memref<10240x64xf32, #tpu.memory_space<vmem_shared>> -> memref<128x64xf32, #tpu.memory_space<vmem_shared>>
      %dma_start3A_98 = arith.constant 0 : i32
      %dma_start3A_99 = tpu.memref_slice %arg7[%add3A_43, %dma_start3A_98] : memref<10240x64xf32, #tpu.memory_space<vmem_shared>> -> memref<128x64xf32, #tpu.memory_space<vmem_shared>>
      tpu.enqueue_dma source(%arg13 : memref<128x64xf32, #tpu.memory_space<vmem>>) target(%dma_start3A_99 : memref<128x64xf32, #tpu.memory_space<vmem_shared>>) target_semaphore(%run_scoped3A : memref<!tpu.dma_semaphore, #tpu.memory_space<semaphore_mem>>)
      %dma_wait3A = arith.constant 0 : i32
      %dma_wait3A_100 = tpu.memref_slice %arg7[%add3A_43, %dma_wait3A] : memref<10240x64xf32, #tpu.memory_space<vmem_shared>> -> memref<128x64xf32, #tpu.memory_space<vmem_shared>>
      %dma_wait3A_101 = arith.constant 0 : i32
      %dma_wait3A_102 = tpu.memref_slice %arg7[%add3A_43, %dma_wait3A_101] : memref<10240x64xf32, #tpu.memory_space<vmem_shared>> -> memref<128x64xf32, #tpu.memory_space<vmem_shared>>
      tpu.wait_dma2 semaphore(%run_scoped3A : memref<!tpu.dma_semaphore, #tpu.memory_space<semaphore_mem>>) src(%arg13 : memref<128x64xf32, #tpu.memory_space<vmem>>) dst(%dma_wait3A_102 : memref<128x64xf32, #tpu.memory_space<vmem_shared>>)
      tpu.yield
    }) : () -> ()
    %add3A_44 = arith.constant 128 : i32
    %add3A_45 = arith.addi %mul3A_0, %add3A_44 : i32
    "tpu.region"() ({
      %run_scoped3A = tpu.sem_alloc : memref<!tpu.dma_semaphore, #tpu.memory_space<semaphore_mem>>
      %dma_start3A = arith.constant 0 : i32
      %dma_start3A_97 = tpu.memref_slice %arg7[%add3A_45, %dma_start3A] : memref<10240x64xf32, #tpu.memory_space<vmem_shared>> -> memref<128x64xf32, #tpu.memory_space<vmem_shared>>
      %dma_start3A_98 = arith.constant 0 : i32
      %dma_start3A_99 = tpu.memref_slice %arg7[%add3A_45, %dma_start3A_98] : memref<10240x64xf32, #tpu.memory_space<vmem_shared>> -> memref<128x64xf32, #tpu.memory_space<vmem_shared>>
      tpu.enqueue_dma source(%arg13 : memref<128x64xf32, #tpu.memory_space<vmem>>) target(%dma_start3A_99 : memref<128x64xf32, #tpu.memory_space<vmem_shared>>) target_semaphore(%run_scoped3A : memref<!tpu.dma_semaphore, #tpu.memory_space<semaphore_mem>>)
      %dma_wait3A = arith.constant 0 : i32
      %dma_wait3A_100 = tpu.memref_slice %arg7[%add3A_45, %dma_wait3A] : memref<10240x64xf32, #tpu.memory_space<vmem_shared>> -> memref<128x64xf32, #tpu.memory_space<vmem_shared>>
      %dma_wait3A_101 = arith.constant 0 : i32
      %dma_wait3A_102 = tpu.memref_slice %arg7[%add3A_45, %dma_wait3A_101] : memref<10240x64xf32, #tpu.memory_space<vmem_shared>> -> memref<128x64xf32, #tpu.memory_space<vmem_shared>>
      tpu.wait_dma2 semaphore(%run_scoped3A : memref<!tpu.dma_semaphore, #tpu.memory_space<semaphore_mem>>) src(%arg13 : memref<128x64xf32, #tpu.memory_space<vmem>>) dst(%dma_wait3A_102 : memref<128x64xf32, #tpu.memory_space<vmem_shared>>)
      tpu.yield
    }) : () -> ()
    %add3A_46 = arith.constant 256 : i32
    %add3A_47 = arith.addi %mul3A_0, %add3A_46 : i32
    "tpu.region"() ({
      %run_scoped3A = tpu.sem_alloc : memref<!tpu.dma_semaphore, #tpu.memory_space<semaphore_mem>>
      %dma_start3A = arith.constant 0 : i32
      %dma_start3A_97 = tpu.memref_slice %arg7[%add3A_47, %dma_start3A] : memref<10240x64xf32, #tpu.memory_space<vmem_shared>> -> memref<128x64xf32, #tpu.memory_space<vmem_shared>>
      %dma_start3A_98 = arith.constant 0 : i32
      %dma_start3A_99 = tpu.memref_slice %arg7[%add3A_47, %dma_start3A_98] : memref<10240x64xf32, #tpu.memory_space<vmem_shared>> -> memref<128x64xf32, #tpu.memory_space<vmem_shared>>
      tpu.enqueue_dma source(%arg13 : memref<128x64xf32, #tpu.memory_space<vmem>>) target(%dma_start3A_99 : memref<128x64xf32, #tpu.memory_space<vmem_shared>>) target_semaphore(%run_scoped3A : memref<!tpu.dma_semaphore, #tpu.memory_space<semaphore_mem>>)
      %dma_wait3A = arith.constant 0 : i32
      %dma_wait3A_100 = tpu.memref_slice %arg7[%add3A_47, %dma_wait3A] : memref<10240x64xf32, #tpu.memory_space<vmem_shared>> -> memref<128x64xf32, #tpu.memory_space<vmem_shared>>
      %dma_wait3A_101 = arith.constant 0 : i32
      %dma_wait3A_102 = tpu.memref_slice %arg7[%add3A_47, %dma_wait3A_101] : memref<10240x64xf32, #tpu.memory_space<vmem_shared>> -> memref<128x64xf32, #tpu.memory_space<vmem_shared>>
      tpu.wait_dma2 semaphore(%run_scoped3A : memref<!tpu.dma_semaphore, #tpu.memory_space<semaphore_mem>>) src(%arg13 : memref<128x64xf32, #tpu.memory_space<vmem>>) dst(%dma_wait3A_102 : memref<128x64xf32, #tpu.memory_space<vmem_shared>>)
      tpu.yield
    }) : () -> ()
    %add3A_48 = arith.constant 384 : i32
    %add3A_49 = arith.addi %mul3A_0, %add3A_48 : i32
    "tpu.region"() ({
      %run_scoped3A = tpu.sem_alloc : memref<!tpu.dma_semaphore, #tpu.memory_space<semaphore_mem>>
      %dma_start3A = arith.constant 0 : i32
      %dma_start3A_97 = tpu.memref_slice %arg7[%add3A_49, %dma_start3A] : memref<10240x64xf32, #tpu.memory_space<vmem_shared>> -> memref<128x64xf32, #tpu.memory_space<vmem_shared>>
      %dma_start3A_98 = arith.constant 0 : i32
      %dma_start3A_99 = tpu.memref_slice %arg7[%add3A_49, %dma_start3A_98] : memref<10240x64xf32, #tpu.memory_space<vmem_shared>> -> memref<128x64xf32, #tpu.memory_space<vmem_shared>>
      tpu.enqueue_dma source(%arg13 : memref<128x64xf32, #tpu.memory_space<vmem>>) target(%dma_start3A_99 : memref<128x64xf32, #tpu.memory_space<vmem_shared>>) target_semaphore(%run_scoped3A : memref<!tpu.dma_semaphore, #tpu.memory_space<semaphore_mem>>)
      %dma_wait3A = arith.constant 0 : i32
      %dma_wait3A_100 = tpu.memref_slice %arg7[%add3A_49, %dma_wait3A] : memref<10240x64xf32, #tpu.memory_space<vmem_shared>> -> memref<128x64xf32, #tpu.memory_space<vmem_shared>>
      %dma_wait3A_101 = arith.constant 0 : i32
      %dma_wait3A_102 = tpu.memref_slice %arg7[%add3A_49, %dma_wait3A_101] : memref<10240x64xf32, #tpu.memory_space<vmem_shared>> -> memref<128x64xf32, #tpu.memory_space<vmem_shared>>
      tpu.wait_dma2 semaphore(%run_scoped3A : memref<!tpu.dma_semaphore, #tpu.memory_space<semaphore_mem>>) src(%arg13 : memref<128x64xf32, #tpu.memory_space<vmem>>) dst(%dma_wait3A_102 : memref<128x64xf32, #tpu.memory_space<vmem_shared>>)
      tpu.yield
    }) : () -> ()
    %add3A_50 = arith.constant 512 : i32
    %add3A_51 = arith.addi %mul3A_0, %add3A_50 : i32
    "tpu.region"() ({
      %run_scoped3A = tpu.sem_alloc : memref<!tpu.dma_semaphore, #tpu.memory_space<semaphore_mem>>
      %dma_start3A = arith.constant 0 : i32
      %dma_start3A_97 = tpu.memref_slice %arg7[%add3A_51, %dma_start3A] : memref<10240x64xf32, #tpu.memory_space<vmem_shared>> -> memref<128x64xf32, #tpu.memory_space<vmem_shared>>
      %dma_start3A_98 = arith.constant 0 : i32
      %dma_start3A_99 = tpu.memref_slice %arg7[%add3A_51, %dma_start3A_98] : memref<10240x64xf32, #tpu.memory_space<vmem_shared>> -> memref<128x64xf32, #tpu.memory_space<vmem_shared>>
      tpu.enqueue_dma source(%arg13 : memref<128x64xf32, #tpu.memory_space<vmem>>) target(%dma_start3A_99 : memref<128x64xf32, #tpu.memory_space<vmem_shared>>) target_semaphore(%run_scoped3A : memref<!tpu.dma_semaphore, #tpu.memory_space<semaphore_mem>>)
      %dma_wait3A = arith.constant 0 : i32
      %dma_wait3A_100 = tpu.memref_slice %arg7[%add3A_51, %dma_wait3A] : memref<10240x64xf32, #tpu.memory_space<vmem_shared>> -> memref<128x64xf32, #tpu.memory_space<vmem_shared>>
      %dma_wait3A_101 = arith.constant 0 : i32
      %dma_wait3A_102 = tpu.memref_slice %arg7[%add3A_51, %dma_wait3A_101] : memref<10240x64xf32, #tpu.memory_space<vmem_shared>> -> memref<128x64xf32, #tpu.memory_space<vmem_shared>>
      tpu.wait_dma2 semaphore(%run_scoped3A : memref<!tpu.dma_semaphore, #tpu.memory_space<semaphore_mem>>) src(%arg13 : memref<128x64xf32, #tpu.memory_space<vmem>>) dst(%dma_wait3A_102 : memref<128x64xf32, #tpu.memory_space<vmem_shared>>)
      tpu.yield
    }) : () -> ()
    %scan3A_52 = arith.constant 0 : i32
    %scan3A_53 = arith.constant 0 : i32
    %scan3A_54 = arith.constant 41 : i32
    %scan3A_55 = arith.addi %scan3A_53, %scan3A_54 : i32
    %scan3A_56 = arith.constant 1 : i32
    %scan3A_57 = scf.for %scan3A_97 = %scan3A_53 to %scan3A_55 step %scan3A_56 iter_args(%scan3A_98 = %scan3A_52) -> (i32)  : i32 {
      %mul3A_99 = arith.constant 16 : i32
      %mul3A_100 = arith.muli %mul3A_99, %scan3A_97 : i32
      %swap3A_101 = arith.index_cast %mul3A_100 : i32 to index
      %swap3A_102 = tpu.vector_load %arg12[%swap3A_101] {strides = array<i32>} : memref<656xf32, #tpu.memory_space<vmem>>, vector<16xf32>,
      %swap3A_103 = vector.shape_cast %swap3A_102 : vector<16xf32> to vector<16xf32>
      %swap3A_104 = vector.shape_cast %broadcast_in_dim3A_5 : vector<16xf32> to vector<16xf32>
      tpu.vector_store %arg12[%swap3A_101], %swap3A_104 {strides = array<i32>} : memref<656xf32, #tpu.memory_space<vmem>>, vector<16xf32>,
      %scan3A_105 = arith.constant 0 : i32
      scf.yield %scan3A_105 : i32
    }
    %scan3A_58 = arith.constant 41 : i32
    "tpu.region"() ({
      %run_scoped3A = tpu.sem_alloc : memref<!tpu.dma_semaphore, #tpu.memory_space<semaphore_mem>>
      %dma_start3A = arith.constant 0 : i32
      %dma_start3A_97 = tpu.memref_slice %arg12[%dma_start3A] : memref<656xf32, #tpu.memory_space<vmem>> -> memref<640xf32, #tpu.memory_space<vmem>>
      %dma_start3A_98 = tpu.memref_slice %arg8[%mul3A_0] : memref<10240xf32, #tpu.memory_space<vmem_shared>> -> memref<640xf32, #tpu.memory_space<vmem_shared>>
      %dma_start3A_99 = tpu.memref_slice %arg8[%mul3A_0] : memref<10240xf32, #tpu.memory_space<vmem_shared>> -> memref<640xf32, #tpu.memory_space<vmem_shared>>
      %dma_start3A_100 = arith.constant 0 : i32
      %dma_start3A_101 = tpu.memref_slice %arg12[%dma_start3A_100] : memref<656xf32, #tpu.memory_space<vmem>> -> memref<640xf32, #tpu.memory_space<vmem>>
      tpu.enqueue_dma source(%dma_start3A_101 : memref<640xf32, #tpu.memory_space<vmem>>) target(%dma_start3A_99 : memref<640xf32, #tpu.memory_space<vmem_shared>>) target_semaphore(%run_scoped3A : memref<!tpu.dma_semaphore, #tpu.memory_space<semaphore_mem>>)
      %dma_wait3A = arith.constant 0 : i32
      %dma_wait3A_102 = tpu.memref_slice %arg12[%dma_wait3A] : memref<656xf32, #tpu.memory_space<vmem>> -> memref<640xf32, #tpu.memory_space<vmem>>
      %dma_wait3A_103 = tpu.memref_slice %arg8[%mul3A_0] : memref<10240xf32, #tpu.memory_space<vmem_shared>> -> memref<640xf32, #tpu.memory_space<vmem_shared>>
      %dma_wait3A_104 = tpu.memref_slice %arg8[%mul3A_0] : memref<10240xf32, #tpu.memory_space<vmem_shared>> -> memref<640xf32, #tpu.memory_space<vmem_shared>>
      %dma_wait3A_105 = arith.constant 0 : i32
      %dma_wait3A_106 = tpu.memref_slice %arg12[%dma_wait3A_105] : memref<656xf32, #tpu.memory_space<vmem>> -> memref<640xf32, #tpu.memory_space<vmem>>
      tpu.wait_dma2 semaphore(%run_scoped3A : memref<!tpu.dma_semaphore, #tpu.memory_space<semaphore_mem>>) src(%dma_wait3A_106 : memref<640xf32, #tpu.memory_space<vmem>>) dst(%dma_wait3A_104 : memref<640xf32, #tpu.memory_space<vmem_shared>>)
      tpu.yield
    }) : () -> ()
    %barrier3A = arith.constant 0 : index
    tpu.barrier barrier_id(%barrier3A)
    %scan3A_59 = arith.constant 0 : i32
    %scan3A_60 = arith.constant 0 : i32
    %scan3A_61 = arith.constant 20 : i32
    %scan3A_62 = arith.addi %scan3A_60, %scan3A_61 : i32
    %scan3A_63 = arith.constant 1 : i32
    %scan3A_64 = scf.for %scan3A_97 = %scan3A_60 to %scan3A_62 step %scan3A_63 iter_args(%scan3A_98 = %scan3A_59) -> (i32)  : i32 {
      %mul3A_99 = arith.constant 160 : i32
      %mul3A_100 = arith.muli %arg1, %mul3A_99 : i32
      %mul3A_101 = arith.constant 8 : i32
      %mul3A_102 = arith.muli %mul3A_101, %scan3A_97 : i32
      %add3A_103 = arith.addi %mul3A_100, %mul3A_102 : i32
      "tpu.region"() ({
        %run_scoped3A_112 = tpu.sem_alloc : memref<!tpu.dma_semaphore, #tpu.memory_space<semaphore_mem>>
        %dma_start3A = arith.constant 0 : i32
        %dma_start3A_113 = tpu.memref_slice %arg4[%add3A_103, %dma_start3A] : memref<2560x128xi32, #tpu.memory_space<hbm>> -> memref<8x128xi32, #tpu.memory_space<hbm>>
        %dma_start3A_114 = arith.constant 0 : i32
        %dma_start3A_115 = tpu.memref_slice %arg4[%add3A_103, %dma_start3A_114] : memref<2560x128xi32, #tpu.memory_space<hbm>> -> memref<8x128xi32, #tpu.memory_space<hbm>>
        tpu.enqueue_dma source(%dma_start3A_115 : memref<8x128xi32, #tpu.memory_space<hbm>>) target(%arg9 : memref<8x128xi32, #tpu.memory_space<vmem>>) target_semaphore(%run_scoped3A_112 : memref<!tpu.dma_semaphore, #tpu.memory_space<semaphore_mem>>)
        %dma_wait3A = arith.constant 0 : i32
        %dma_wait3A_116 = tpu.memref_slice %arg4[%add3A_103, %dma_wait3A] : memref<2560x128xi32, #tpu.memory_space<hbm>> -> memref<8x128xi32, #tpu.memory_space<hbm>>
        %dma_wait3A_117 = arith.constant 0 : i32
        %dma_wait3A_118 = tpu.memref_slice %arg4[%add3A_103, %dma_wait3A_117] : memref<2560x128xi32, #tpu.memory_space<hbm>> -> memref<8x128xi32, #tpu.memory_space<hbm>>
        tpu.wait_dma2 semaphore(%run_scoped3A_112 : memref<!tpu.dma_semaphore, #tpu.memory_space<semaphore_mem>>) src(%dma_wait3A_118 : memref<8x128xi32, #tpu.memory_space<hbm>>) dst(%arg9 : memref<8x128xi32, #tpu.memory_space<vmem>>)
        tpu.yield
      }) : () -> ()
      %run_scoped3A = arith.constant 0 : i32
      "tpu.region"() ({
        %run_scoped3A_112 = tpu.sem_alloc : memref<!tpu.dma_semaphore, #tpu.memory_space<semaphore_mem>>
        %dma_start3A = arith.constant 0 : i32
        %dma_start3A_113 = tpu.memref_slice %arg9[%run_scoped3A, %dma_start3A] : memref<8x128xi32, #tpu.memory_space<vmem>> -> memref<1x128xi32, #tpu.memory_space<vmem>>
        %dma_start3A_114 = tpu.memref_squeeze %dma_start3A_113 : memref<1x128xi32, #tpu.memory_space<vmem>> -> memref<128xi32, #tpu.memory_space<vmem>>
        %dma_start3A_115 = arith.constant 0 : i32
        %dma_start3A_116 = tpu.memref_slice %arg8[%dma_start3A_115] : memref<10240xf32, #tpu.memory_space<vmem_shared>> -> memref<10240xf32, #tpu.memory_space<vmem_shared>>
        tpu.enqueue_indirect_dma source(%arg11 : memref<128xf32, #tpu.memory_space<vmem>>) target(%dma_start3A_116 : memref<10240xf32, #tpu.memory_space<vmem_shared>>) offsets(%dma_start3A_114 : memref<128xi32, #tpu.memory_space<vmem>>) semaphore(%run_scoped3A_112 : memref<!tpu.dma_semaphore, #tpu.memory_space<semaphore_mem>>) {add = true}
        %dma_wait3A = arith.constant 0 : i32
        %dma_wait3A_117 = tpu.memref_slice %arg9[%run_scoped3A, %dma_wait3A] : memref<8x128xi32, #tpu.memory_space<vmem>> -> memref<1x128xi32, #tpu.memory_space<vmem>>
        %dma_wait3A_118 = tpu.memref_squeeze %dma_wait3A_117 : memref<1x128xi32, #tpu.memory_space<vmem>> -> memref<128xi32, #tpu.memory_space<vmem>>
        %dma_wait3A_119 = arith.constant 0 : i32
        %dma_wait3A_120 = tpu.memref_slice %arg8[%dma_wait3A_119] : memref<10240xf32, #tpu.memory_space<vmem_shared>> -> memref<10240xf32, #tpu.memory_space<vmem_shared>>
        tpu.wait_indirect_dma semaphore(%run_scoped3A_112 : memref<!tpu.dma_semaphore, #tpu.memory_space<semaphore_mem>>) src(%arg11 : memref<128xf32, #tpu.memory_space<vmem>>) dst(%dma_wait3A_120 : memref<10240xf32, #tpu.memory_space<vmem_shared>>)
        tpu.yield
      }) : () -> ()
      %run_scoped3A_104 = arith.constant 1 : i32
      "tpu.region"() ({
        %run_scoped3A_112 = tpu.sem_alloc : memref<!tpu.dma_semaphore, #tpu.memory_space<semaphore_mem>>
        %dma_start3A = arith.constant 0 : i32
        %dma_start3A_113 = tpu.memref_slice %arg9[%run_scoped3A_104, %dma_start3A] : memref<8x128xi32, #tpu.memory_space<vmem>> -> memref<1x128xi32, #tpu.memory_space<vmem>>
        %dma_start3A_114 = tpu.memref_squeeze %dma_start3A_113 : memref<1x128xi32, #tpu.memory_space<vmem>> -> memref<128xi32, #tpu.memory_space<vmem>>
        %dma_start3A_115 = arith.constant 0 : i32
        %dma_start3A_116 = tpu.memref_slice %arg8[%dma_start3A_115] : memref<10240xf32, #tpu.memory_space<vmem_shared>> -> memref<10240xf32, #tpu.memory_space<vmem_shared>>
        tpu.enqueue_indirect_dma source(%arg11 : memref<128xf32, #tpu.memory_space<vmem>>) target(%dma_start3A_116 : memref<10240xf32, #tpu.memory_space<vmem_shared>>) offsets(%dma_start3A_114 : memref<128xi32, #tpu.memory_space<vmem>>) semaphore(%run_scoped3A_112 : memref<!tpu.dma_semaphore, #tpu.memory_space<semaphore_mem>>) {add = true}
        %dma_wait3A = arith.constant 0 : i32
        %dma_wait3A_117 = tpu.memref_slice %arg9[%run_scoped3A_104, %dma_wait3A] : memref<8x128xi32, #tpu.memory_space<vmem>> -> memref<1x128xi32, #tpu.memory_space<vmem>>
        %dma_wait3A_118 = tpu.memref_squeeze %dma_wait3A_117 : memref<1x128xi32, #tpu.memory_space<vmem>> -> memref<128xi32, #tpu.memory_space<vmem>>
        %dma_wait3A_119 = arith.constant 0 : i32
        %dma_wait3A_120 = tpu.memref_slice %arg8[%dma_wait3A_119] : memref<10240xf32, #tpu.memory_space<vmem_shared>> -> memref<10240xf32, #tpu.memory_space<vmem_shared>>
        tpu.wait_indirect_dma semaphore(%run_scoped3A_112 : memref<!tpu.dma_semaphore, #tpu.memory_space<semaphore_mem>>) src(%arg11 : memref<128xf32, #tpu.memory_space<vmem>>) dst(%dma_wait3A_120 : memref<10240xf32, #tpu.memory_space<vmem_shared>>)
        tpu.yield
      }) : () -> ()
      %run_scoped3A_105 = arith.constant 2 : i32
      "tpu.region"() ({
        %run_scoped3A_112 = tpu.sem_alloc : memref<!tpu.dma_semaphore, #tpu.memory_space<semaphore_mem>>
        %dma_start3A = arith.constant 0 : i32
        %dma_start3A_113 = tpu.memref_slice %arg9[%run_scoped3A_105, %dma_start3A] : memref<8x128xi32, #tpu.memory_space<vmem>> -> memref<1x128xi32, #tpu.memory_space<vmem>>
        %dma_start3A_114 = tpu.memref_squeeze %dma_start3A_113 : memref<1x128xi32, #tpu.memory_space<vmem>> -> memref<128xi32, #tpu.memory_space<vmem>>
        %dma_start3A_115 = arith.constant 0 : i32
        %dma_start3A_116 = tpu.memref_slice %arg8[%dma_start3A_115] : memref<10240xf32, #tpu.memory_space<vmem_shared>> -> memref<10240xf32, #tpu.memory_space<vmem_shared>>
        tpu.enqueue_indirect_dma source(%arg11 : memref<128xf32, #tpu.memory_space<vmem>>) target(%dma_start3A_116 : memref<10240xf32, #tpu.memory_space<vmem_shared>>) offsets(%dma_start3A_114 : memref<128xi32, #tpu.memory_space<vmem>>) semaphore(%run_scoped3A_112 : memref<!tpu.dma_semaphore, #tpu.memory_space<semaphore_mem>>) {add = true}
        %dma_wait3A = arith.constant 0 : i32
        %dma_wait3A_117 = tpu.memref_slice %arg9[%run_scoped3A_105, %dma_wait3A] : memref<8x128xi32, #tpu.memory_space<vmem>> -> memref<1x128xi32, #tpu.memory_space<vmem>>
        %dma_wait3A_118 = tpu.memref_squeeze %dma_wait3A_117 : memref<1x128xi32, #tpu.memory_space<vmem>> -> memref<128xi32, #tpu.memory_space<vmem>>
        %dma_wait3A_119 = arith.constant 0 : i32
        %dma_wait3A_120 = tpu.memref_slice %arg8[%dma_wait3A_119] : memref<10240xf32, #tpu.memory_space<vmem_shared>> -> memref<10240xf32, #tpu.memory_space<vmem_shared>>
        tpu.wait_indirect_dma semaphore(%run_scoped3A_112 : memref<!tpu.dma_semaphore, #tpu.memory_space<semaphore_mem>>) src(%arg11 : memref<128xf32, #tpu.memory_space<vmem>>) dst(%dma_wait3A_120 : memref<10240xf32, #tpu.memory_space<vmem_shared>>)
        tpu.yield
      }) : () -> ()
      %run_scoped3A_106 = arith.constant 3 : i32
      "tpu.region"() ({
        %run_scoped3A_112 = tpu.sem_alloc : memref<!tpu.dma_semaphore, #tpu.memory_space<semaphore_mem>>
        %dma_start3A = arith.constant 0 : i32
        %dma_start3A_113 = tpu.memref_slice %arg9[%run_scoped3A_106, %dma_start3A] : memref<8x128xi32, #tpu.memory_space<vmem>> -> memref<1x128xi32, #tpu.memory_space<vmem>>
        %dma_start3A_114 = tpu.memref_squeeze %dma_start3A_113 : memref<1x128xi32, #tpu.memory_space<vmem>> -> memref<128xi32, #tpu.memory_space<vmem>>
        %dma_start3A_115 = arith.constant 0 : i32
        %dma_start3A_116 = tpu.memref_slice %arg8[%dma_start3A_115] : memref<10240xf32, #tpu.memory_space<vmem_shared>> -> memref<10240xf32, #tpu.memory_space<vmem_shared>>
        tpu.enqueue_indirect_dma source(%arg11 : memref<128xf32, #tpu.memory_space<vmem>>) target(%dma_start3A_116 : memref<10240xf32, #tpu.memory_space<vmem_shared>>) offsets(%dma_start3A_114 : memref<128xi32, #tpu.memory_space<vmem>>) semaphore(%run_scoped3A_112 : memref<!tpu.dma_semaphore, #tpu.memory_space<semaphore_mem>>) {add = true}
        %dma_wait3A = arith.constant 0 : i32
        %dma_wait3A_117 = tpu.memref_slice %arg9[%run_scoped3A_106, %dma_wait3A] : memref<8x128xi32, #tpu.memory_space<vmem>> -> memref<1x128xi32, #tpu.memory_space<vmem>>
        %dma_wait3A_118 = tpu.memref_squeeze %dma_wait3A_117 : memref<1x128xi32, #tpu.memory_space<vmem>> -> memref<128xi32, #tpu.memory_space<vmem>>
        %dma_wait3A_119 = arith.constant 0 : i32
        %dma_wait3A_120 = tpu.memref_slice %arg8[%dma_wait3A_119] : memref<10240xf32, #tpu.memory_space<vmem_shared>> -> memref<10240xf32, #tpu.memory_space<vmem_shared>>
        tpu.wait_indirect_dma semaphore(%run_scoped3A_112 : memref<!tpu.dma_semaphore, #tpu.memory_space<semaphore_mem>>) src(%arg11 : memref<128xf32, #tpu.memory_space<vmem>>) dst(%dma_wait3A_120 : memref<10240xf32, #tpu.memory_space<vmem_shared>>)
        tpu.yield
      }) : () -> ()
      %run_scoped3A_107 = arith.constant 4 : i32
      "tpu.region"() ({
        %run_scoped3A_112 = tpu.sem_alloc : memref<!tpu.dma_semaphore, #tpu.memory_space<semaphore_mem>>
        %dma_start3A = arith.constant 0 : i32
        %dma_start3A_113 = tpu.memref_slice %arg9[%run_scoped3A_107, %dma_start3A] : memref<8x128xi32, #tpu.memory_space<vmem>> -> memref<1x128xi32, #tpu.memory_space<vmem>>
        %dma_start3A_114 = tpu.memref_squeeze %dma_start3A_113 : memref<1x128xi32, #tpu.memory_space<vmem>> -> memref<128xi32, #tpu.memory_space<vmem>>
        %dma_start3A_115 = arith.constant 0 : i32
        %dma_start3A_116 = tpu.memref_slice %arg8[%dma_start3A_115] : memref<10240xf32, #tpu.memory_space<vmem_shared>> -> memref<10240xf32, #tpu.memory_space<vmem_shared>>
        tpu.enqueue_indirect_dma source(%arg11 : memref<128xf32, #tpu.memory_space<vmem>>) target(%dma_start3A_116 : memref<10240xf32, #tpu.memory_space<vmem_shared>>) offsets(%dma_start3A_114 : memref<128xi32, #tpu.memory_space<vmem>>) semaphore(%run_scoped3A_112 : memref<!tpu.dma_semaphore, #tpu.memory_space<semaphore_mem>>) {add = true}
        %dma_wait3A = arith.constant 0 : i32
        %dma_wait3A_117 = tpu.memref_slice %arg9[%run_scoped3A_107, %dma_wait3A] : memref<8x128xi32, #tpu.memory_space<vmem>> -> memref<1x128xi32, #tpu.memory_space<vmem>>
        %dma_wait3A_118 = tpu.memref_squeeze %dma_wait3A_117 : memref<1x128xi32, #tpu.memory_space<vmem>> -> memref<128xi32, #tpu.memory_space<vmem>>
        %dma_wait3A_119 = arith.constant 0 : i32
        %dma_wait3A_120 = tpu.memref_slice %arg8[%dma_wait3A_119] : memref<10240xf32, #tpu.memory_space<vmem_shared>> -> memref<10240xf32, #tpu.memory_space<vmem_shared>>
        tpu.wait_indirect_dma semaphore(%run_scoped3A_112 : memref<!tpu.dma_semaphore, #tpu.memory_space<semaphore_mem>>) src(%arg11 : memref<128xf32, #tpu.memory_space<vmem>>) dst(%dma_wait3A_120 : memref<10240xf32, #tpu.memory_space<vmem_shared>>)
        tpu.yield
      }) : () -> ()
      %run_scoped3A_108 = arith.constant 5 : i32
      "tpu.region"() ({
        %run_scoped3A_112 = tpu.sem_alloc : memref<!tpu.dma_semaphore, #tpu.memory_space<semaphore_mem>>
        %dma_start3A = arith.constant 0 : i32
        %dma_start3A_113 = tpu.memref_slice %arg9[%run_scoped3A_108, %dma_start3A] : memref<8x128xi32, #tpu.memory_space<vmem>> -> memref<1x128xi32, #tpu.memory_space<vmem>>
        %dma_start3A_114 = tpu.memref_squeeze %dma_start3A_113 : memref<1x128xi32, #tpu.memory_space<vmem>> -> memref<128xi32, #tpu.memory_space<vmem>>
        %dma_start3A_115 = arith.constant 0 : i32
        %dma_start3A_116 = tpu.memref_slice %arg8[%dma_start3A_115] : memref<10240xf32, #tpu.memory_space<vmem_shared>> -> memref<10240xf32, #tpu.memory_space<vmem_shared>>
        tpu.enqueue_indirect_dma source(%arg11 : memref<128xf32, #tpu.memory_space<vmem>>) target(%dma_start3A_116 : memref<10240xf32, #tpu.memory_space<vmem_shared>>) offsets(%dma_start3A_114 : memref<128xi32, #tpu.memory_space<vmem>>) semaphore(%run_scoped3A_112 : memref<!tpu.dma_semaphore, #tpu.memory_space<semaphore_mem>>) {add = true}
        %dma_wait3A = arith.constant 0 : i32
        %dma_wait3A_117 = tpu.memref_slice %arg9[%run_scoped3A_108, %dma_wait3A] : memref<8x128xi32, #tpu.memory_space<vmem>> -> memref<1x128xi32, #tpu.memory_space<vmem>>
        %dma_wait3A_118 = tpu.memref_squeeze %dma_wait3A_117 : memref<1x128xi32, #tpu.memory_space<vmem>> -> memref<128xi32, #tpu.memory_space<vmem>>
        %dma_wait3A_119 = arith.constant 0 : i32
        %dma_wait3A_120 = tpu.memref_slice %arg8[%dma_wait3A_119] : memref<10240xf32, #tpu.memory_space<vmem_shared>> -> memref<10240xf32, #tpu.memory_space<vmem_shared>>
        tpu.wait_indirect_dma semaphore(%run_scoped3A_112 : memref<!tpu.dma_semaphore, #tpu.memory_space<semaphore_mem>>) src(%arg11 : memref<128xf32, #tpu.memory_space<vmem>>) dst(%dma_wait3A_120 : memref<10240xf32, #tpu.memory_space<vmem_shared>>)
        tpu.yield
      }) : () -> ()
      %run_scoped3A_109 = arith.constant 6 : i32
      "tpu.region"() ({
        %run_scoped3A_112 = tpu.sem_alloc : memref<!tpu.dma_semaphore, #tpu.memory_space<semaphore_mem>>
        %dma_start3A = arith.constant 0 : i32
        %dma_start3A_113 = tpu.memref_slice %arg9[%run_scoped3A_109, %dma_start3A] : memref<8x128xi32, #tpu.memory_space<vmem>> -> memref<1x128xi32, #tpu.memory_space<vmem>>
        %dma_start3A_114 = tpu.memref_squeeze %dma_start3A_113 : memref<1x128xi32, #tpu.memory_space<vmem>> -> memref<128xi32, #tpu.memory_space<vmem>>
        %dma_start3A_115 = arith.constant 0 : i32
        %dma_start3A_116 = tpu.memref_slice %arg8[%dma_start3A_115] : memref<10240xf32, #tpu.memory_space<vmem_shared>> -> memref<10240xf32, #tpu.memory_space<vmem_shared>>
        tpu.enqueue_indirect_dma source(%arg11 : memref<128xf32, #tpu.memory_space<vmem>>) target(%dma_start3A_116 : memref<10240xf32, #tpu.memory_space<vmem_shared>>) offsets(%dma_start3A_114 : memref<128xi32, #tpu.memory_space<vmem>>) semaphore(%run_scoped3A_112 : memref<!tpu.dma_semaphore, #tpu.memory_space<semaphore_mem>>) {add = true}
        %dma_wait3A = arith.constant 0 : i32
        %dma_wait3A_117 = tpu.memref_slice %arg9[%run_scoped3A_109, %dma_wait3A] : memref<8x128xi32, #tpu.memory_space<vmem>> -> memref<1x128xi32, #tpu.memory_space<vmem>>
        %dma_wait3A_118 = tpu.memref_squeeze %dma_wait3A_117 : memref<1x128xi32, #tpu.memory_space<vmem>> -> memref<128xi32, #tpu.memory_space<vmem>>
        %dma_wait3A_119 = arith.constant 0 : i32
        %dma_wait3A_120 = tpu.memref_slice %arg8[%dma_wait3A_119] : memref<10240xf32, #tpu.memory_space<vmem_shared>> -> memref<10240xf32, #tpu.memory_space<vmem_shared>>
        tpu.wait_indirect_dma semaphore(%run_scoped3A_112 : memref<!tpu.dma_semaphore, #tpu.memory_space<semaphore_mem>>) src(%arg11 : memref<128xf32, #tpu.memory_space<vmem>>) dst(%dma_wait3A_120 : memref<10240xf32, #tpu.memory_space<vmem_shared>>)
        tpu.yield
      }) : () -> ()
      %run_scoped3A_110 = arith.constant 7 : i32
      "tpu.region"() ({
        %run_scoped3A_112 = tpu.sem_alloc : memref<!tpu.dma_semaphore, #tpu.memory_space<semaphore_mem>>
        %dma_start3A = arith.constant 0 : i32
        %dma_start3A_113 = tpu.memref_slice %arg9[%run_scoped3A_110, %dma_start3A] : memref<8x128xi32, #tpu.memory_space<vmem>> -> memref<1x128xi32, #tpu.memory_space<vmem>>
        %dma_start3A_114 = tpu.memref_squeeze %dma_start3A_113 : memref<1x128xi32, #tpu.memory_space<vmem>> -> memref<128xi32, #tpu.memory_space<vmem>>
        %dma_start3A_115 = arith.constant 0 : i32
        %dma_start3A_116 = tpu.memref_slice %arg8[%dma_start3A_115] : memref<10240xf32, #tpu.memory_space<vmem_shared>> -> memref<10240xf32, #tpu.memory_space<vmem_shared>>
        tpu.enqueue_indirect_dma source(%arg11 : memref<128xf32, #tpu.memory_space<vmem>>) target(%dma_start3A_116 : memref<10240xf32, #tpu.memory_space<vmem_shared>>) offsets(%dma_start3A_114 : memref<128xi32, #tpu.memory_space<vmem>>) semaphore(%run_scoped3A_112 : memref<!tpu.dma_semaphore, #tpu.memory_space<semaphore_mem>>) {add = true}
        %dma_wait3A = arith.constant 0 : i32
        %dma_wait3A_117 = tpu.memref_slice %arg9[%run_scoped3A_110, %dma_wait3A] : memref<8x128xi32, #tpu.memory_space<vmem>> -> memref<1x128xi32, #tpu.memory_space<vmem>>
        %dma_wait3A_118 = tpu.memref_squeeze %dma_wait3A_117 : memref<1x128xi32, #tpu.memory_space<vmem>> -> memref<128xi32, #tpu.memory_space<vmem>>
        %dma_wait3A_119 = arith.constant 0 : i32
        %dma_wait3A_120 = tpu.memref_slice %arg8[%dma_wait3A_119] : memref<10240xf32, #tpu.memory_space<vmem_shared>> -> memref<10240xf32, #tpu.memory_space<vmem_shared>>
        tpu.wait_indirect_dma semaphore(%run_scoped3A_112 : memref<!tpu.dma_semaphore, #tpu.memory_space<semaphore_mem>>) src(%arg11 : memref<128xf32, #tpu.memory_space<vmem>>) dst(%dma_wait3A_120 : memref<10240xf32, #tpu.memory_space<vmem_shared>>)
        tpu.yield
      }) : () -> ()
      %scan3A_111 = arith.constant 0 : i32
      scf.yield %scan3A_111 : i32
    }
    %scan3A_65 = arith.constant 20 : i32
    %barrier3A_66 = arith.constant 0 : index
    tpu.barrier barrier_id(%barrier3A_66)
    "tpu.region"() ({
      %run_scoped3A = tpu.sem_alloc : memref<!tpu.dma_semaphore, #tpu.memory_space<semaphore_mem>>
      %dma_start3A = arith.constant 0 : i32
      %dma_start3A_97 = tpu.memref_slice %arg12[%dma_start3A] : memref<656xf32, #tpu.memory_space<vmem>> -> memref<640xf32, #tpu.memory_space<vmem>>
      %dma_start3A_98 = tpu.memref_slice %arg8[%mul3A_0] : memref<10240xf32, #tpu.memory_space<vmem_shared>> -> memref<640xf32, #tpu.memory_space<vmem_shared>>
      %dma_start3A_99 = arith.constant 0 : i32
      %dma_start3A_100 = tpu.memref_slice %arg12[%dma_start3A_99] : memref<656xf32, #tpu.memory_space<vmem>> -> memref<640xf32, #tpu.memory_space<vmem>>
      %dma_start3A_101 = tpu.memref_slice %arg8[%mul3A_0] : memref<10240xf32, #tpu.memory_space<vmem_shared>> -> memref<640xf32, #tpu.memory_space<vmem_shared>>
      tpu.enqueue_dma source(%dma_start3A_101 : memref<640xf32, #tpu.memory_space<vmem_shared>>) target(%dma_start3A_100 : memref<640xf32, #tpu.memory_space<vmem>>) target_semaphore(%run_scoped3A : memref<!tpu.dma_semaphore, #tpu.memory_space<semaphore_mem>>)
      %dma_wait3A = arith.constant 0 : i32
      %dma_wait3A_102 = tpu.memref_slice %arg12[%dma_wait3A] : memref<656xf32, #tpu.memory_space<vmem>> -> memref<640xf32, #tpu.memory_space<vmem>>
      %dma_wait3A_103 = tpu.memref_slice %arg8[%mul3A_0] : memref<10240xf32, #tpu.memory_space<vmem_shared>> -> memref<640xf32, #tpu.memory_space<vmem_shared>>
      %dma_wait3A_104 = arith.constant 0 : i32
      %dma_wait3A_105 = tpu.memref_slice %arg12[%dma_wait3A_104] : memref<656xf32, #tpu.memory_space<vmem>> -> memref<640xf32, #tpu.memory_space<vmem>>
      %dma_wait3A_106 = tpu.memref_slice %arg8[%mul3A_0] : memref<10240xf32, #tpu.memory_space<vmem_shared>> -> memref<640xf32, #tpu.memory_space<vmem_shared>>
      tpu.wait_dma2 semaphore(%run_scoped3A : memref<!tpu.dma_semaphore, #tpu.memory_space<semaphore_mem>>) src(%dma_wait3A_106 : memref<640xf32, #tpu.memory_space<vmem_shared>>) dst(%dma_wait3A_105 : memref<640xf32, #tpu.memory_space<vmem>>)
      tpu.yield
    }) : () -> ()
    %scan3A_67 = arith.constant 0 : i32
    %scan3A_68 = arith.constant 0 : i32
    %scan3A_69 = arith.constant 40 : i32
    %scan3A_70 = arith.addi %scan3A_68, %scan3A_69 : i32
    %scan3A_71 = arith.constant 1 : i32
    %scan3A_72 = scf.for %scan3A_97 = %scan3A_68 to %scan3A_70 step %scan3A_71 iter_args(%scan3A_98 = %scan3A_67) -> (i32)  : i32 {
      %mul3A_99 = arith.constant 16 : i32
      %mul3A_100 = arith.muli %mul3A_99, %scan3A_97 : i32
      %get3A = arith.index_cast %mul3A_100 : i32 to index
      %get3A_101 = tpu.vector_load %arg12[%get3A] {strides = array<i32>} : memref<656xf32, #tpu.memory_space<vmem>>, vector<16xf32>,
      %get3A_102 = vector.shape_cast %get3A_101 : vector<16xf32> to vector<16xf32>
      %max3A = arith.constant 1.000000e+00 : f32
      %max3A_103 = vector.broadcast %max3A : f32 to vector<16xf32>
      %max3A_104 = arith.maximumf %get3A_102, %max3A_103 : vector<16xf32>
      %div3A = arith.constant 1.000000e+00 : f32
      %div3A_105 = vector.broadcast %div3A : f32 to vector<16xf32>
      %div3A_106 = arith.divf %div3A_105, %max3A_104 : vector<16xf32>
      %mul3A_107 = arith.constant 5.000000e-01 : f32
      %mul3A_108 = vector.broadcast %mul3A_107 : f32 to vector<16xf32>
      %mul3A_109 = arith.mulf %mul3A_108, %max3A_104 : vector<16xf32>
      %mul3A_110 = arith.mulf %mul3A_109, %div3A_106 : vector<16xf32>
      %mul3A_111 = arith.mulf %mul3A_110, %div3A_106 : vector<16xf32>
      %sub3A = arith.constant 1.500000e+00 : f32
      %sub3A_112 = vector.broadcast %sub3A : f32 to vector<16xf32>
      %sub3A_113 = arith.subf %sub3A_112, %mul3A_111 : vector<16xf32>
      %mul3A_114 = arith.mulf %div3A_106, %sub3A_113 : vector<16xf32>
      %mul3A_115 = arith.constant 5.000000e-01 : f32
      %mul3A_116 = vector.broadcast %mul3A_115 : f32 to vector<16xf32>
      %mul3A_117 = arith.mulf %mul3A_116, %max3A_104 : vector<16xf32>
      %mul3A_118 = arith.mulf %mul3A_117, %mul3A_114 : vector<16xf32>
      %mul3A_119 = arith.mulf %mul3A_118, %mul3A_114 : vector<16xf32>
      %sub3A_120 = arith.constant 1.500000e+00 : f32
      %sub3A_121 = vector.broadcast %sub3A_120 : f32 to vector<16xf32>
      %sub3A_122 = arith.subf %sub3A_121, %mul3A_119 : vector<16xf32>
      %mul3A_123 = arith.mulf %mul3A_114, %sub3A_122 : vector<16xf32>
      %mul3A_124 = arith.constant 5.000000e-01 : f32
      %mul3A_125 = vector.broadcast %mul3A_124 : f32 to vector<16xf32>
      %mul3A_126 = arith.mulf %mul3A_125, %max3A_104 : vector<16xf32>
      %mul3A_127 = arith.mulf %mul3A_126, %mul3A_123 : vector<16xf32>
      %mul3A_128 = arith.mulf %mul3A_127, %mul3A_123 : vector<16xf32>
      %sub3A_129 = arith.constant 1.500000e+00 : f32
      %sub3A_130 = vector.broadcast %sub3A_129 : f32 to vector<16xf32>
      %sub3A_131 = arith.subf %sub3A_130, %mul3A_128 : vector<16xf32>
      %mul3A_132 = arith.mulf %mul3A_123, %sub3A_131 : vector<16xf32>
      %mul3A_133 = arith.constant 5.000000e-01 : f32
      %mul3A_134 = vector.broadcast %mul3A_133 : f32 to vector<16xf32>
      %mul3A_135 = arith.mulf %mul3A_134, %max3A_104 : vector<16xf32>
      %mul3A_136 = arith.mulf %mul3A_135, %mul3A_132 : vector<16xf32>
      %mul3A_137 = arith.mulf %mul3A_136, %mul3A_132 : vector<16xf32>
      %sub3A_138 = arith.constant 1.500000e+00 : f32
      %sub3A_139 = vector.broadcast %sub3A_138 : f32 to vector<16xf32>
      %sub3A_140 = arith.subf %sub3A_139, %mul3A_137 : vector<16xf32>
      %mul3A_141 = arith.mulf %mul3A_132, %sub3A_140 : vector<16xf32>
      %mul3A_142 = arith.constant 5.000000e-01 : f32
      %mul3A_143 = vector.broadcast %mul3A_142 : f32 to vector<16xf32>
      %mul3A_144 = arith.mulf %mul3A_143, %max3A_104 : vector<16xf32>
      %mul3A_145 = arith.mulf %mul3A_144, %mul3A_141 : vector<16xf32>
      %mul3A_146 = arith.mulf %mul3A_145, %mul3A_141 : vector<16xf32>
      %sub3A_147 = arith.constant 1.500000e+00 : f32
      %sub3A_148 = vector.broadcast %sub3A_147 : f32 to vector<16xf32>
      %sub3A_149 = arith.subf %sub3A_148, %mul3A_146 : vector<16xf32>
      %mul3A_150 = arith.mulf %mul3A_141, %sub3A_149 : vector<16xf32>
      %mul3A_151 = arith.constant 5.000000e-01 : f32
      %mul3A_152 = vector.broadcast %mul3A_151 : f32 to vector<16xf32>
      %mul3A_153 = arith.mulf %mul3A_152, %max3A_104 : vector<16xf32>
      %mul3A_154 = arith.mulf %mul3A_153, %mul3A_150 : vector<16xf32>
      %mul3A_155 = arith.mulf %mul3A_154, %mul3A_150 : vector<16xf32>
      %sub3A_156 = arith.constant 1.500000e+00 : f32
      %sub3A_157 = vector.broadcast %sub3A_156 : f32 to vector<16xf32>
      %sub3A_158 = arith.subf %sub3A_157, %mul3A_155 : vector<16xf32>
      %mul3A_159 = arith.mulf %mul3A_150, %sub3A_158 : vector<16xf32>
      %mul3A_160 = arith.constant 5.000000e-01 : f32
      %mul3A_161 = vector.broadcast %mul3A_160 : f32 to vector<16xf32>
      %mul3A_162 = arith.mulf %mul3A_161, %max3A_104 : vector<16xf32>
      %mul3A_163 = arith.mulf %mul3A_162, %mul3A_159 : vector<16xf32>
      %mul3A_164 = arith.mulf %mul3A_163, %mul3A_159 : vector<16xf32>
      %sub3A_165 = arith.constant 1.500000e+00 : f32
      %sub3A_166 = vector.broadcast %sub3A_165 : f32 to vector<16xf32>
      %sub3A_167 = arith.subf %sub3A_166, %mul3A_164 : vector<16xf32>
      %mul3A_168 = arith.mulf %mul3A_159, %sub3A_167 : vector<16xf32>
      %mul3A_169 = arith.constant 5.000000e-01 : f32
      %mul3A_170 = vector.broadcast %mul3A_169 : f32 to vector<16xf32>
      %mul3A_171 = arith.mulf %mul3A_170, %max3A_104 : vector<16xf32>
      %mul3A_172 = arith.mulf %mul3A_171, %mul3A_168 : vector<16xf32>
      %mul3A_173 = arith.mulf %mul3A_172, %mul3A_168 : vector<16xf32>
      %sub3A_174 = arith.constant 1.500000e+00 : f32
      %sub3A_175 = vector.broadcast %sub3A_174 : f32 to vector<16xf32>
      %sub3A_176 = arith.subf %sub3A_175, %mul3A_173 : vector<16xf32>
      %mul3A_177 = arith.mulf %mul3A_168, %sub3A_176 : vector<16xf32>
      %mul3A_178 = arith.constant 5.000000e-01 : f32
      %mul3A_179 = vector.broadcast %mul3A_178 : f32 to vector<16xf32>
      %mul3A_180 = arith.mulf %mul3A_179, %max3A_104 : vector<16xf32>
      %mul3A_181 = arith.mulf %mul3A_180, %mul3A_177 : vector<16xf32>
      %mul3A_182 = arith.mulf %mul3A_181, %mul3A_177 : vector<16xf32>
      %sub3A_183 = arith.constant 1.500000e+00 : f32
      %sub3A_184 = vector.broadcast %sub3A_183 : f32 to vector<16xf32>
      %sub3A_185 = arith.subf %sub3A_184, %mul3A_182 : vector<16xf32>
      %mul3A_186 = arith.mulf %mul3A_177, %sub3A_185 : vector<16xf32>
      %mul3A_187 = arith.constant 5.000000e-01 : f32
      %mul3A_188 = vector.broadcast %mul3A_187 : f32 to vector<16xf32>
      %mul3A_189 = arith.mulf %mul3A_188, %max3A_104 : vector<16xf32>
      %mul3A_190 = arith.mulf %mul3A_189, %mul3A_186 : vector<16xf32>
      %mul3A_191 = arith.mulf %mul3A_190, %mul3A_186 : vector<16xf32>
      %sub3A_192 = arith.constant 1.500000e+00 : f32
      %sub3A_193 = vector.broadcast %sub3A_192 : f32 to vector<16xf32>
      %sub3A_194 = arith.subf %sub3A_193, %mul3A_191 : vector<16xf32>
      %mul3A_195 = arith.mulf %mul3A_186, %sub3A_194 : vector<16xf32>
      %mul3A_196 = arith.constant 5.000000e-01 : f32
      %mul3A_197 = vector.broadcast %mul3A_196 : f32 to vector<16xf32>
      %mul3A_198 = arith.mulf %mul3A_197, %max3A_104 : vector<16xf32>
      %mul3A_199 = arith.mulf %mul3A_198, %mul3A_195 : vector<16xf32>
      %mul3A_200 = arith.mulf %mul3A_199, %mul3A_195 : vector<16xf32>
      %sub3A_201 = arith.constant 1.500000e+00 : f32
      %sub3A_202 = vector.broadcast %sub3A_201 : f32 to vector<16xf32>
      %sub3A_203 = arith.subf %sub3A_202, %mul3A_200 : vector<16xf32>
      %mul3A_204 = arith.mulf %mul3A_195, %sub3A_203 : vector<16xf32>
      %mul3A_205 = arith.constant 5.000000e-01 : f32
      %mul3A_206 = vector.broadcast %mul3A_205 : f32 to vector<16xf32>
      %mul3A_207 = arith.mulf %mul3A_206, %max3A_104 : vector<16xf32>
      %mul3A_208 = arith.mulf %mul3A_207, %mul3A_204 : vector<16xf32>
      %mul3A_209 = arith.mulf %mul3A_208, %mul3A_204 : vector<16xf32>
      %sub3A_210 = arith.constant 1.500000e+00 : f32
      %sub3A_211 = vector.broadcast %sub3A_210 : f32 to vector<16xf32>
      %sub3A_212 = arith.subf %sub3A_211, %mul3A_209 : vector<16xf32>
      %mul3A_213 = arith.mulf %mul3A_204, %sub3A_212 : vector<16xf32>
      %mul3A_214 = arith.constant 5.000000e-01 : f32
      %mul3A_215 = vector.broadcast %mul3A_214 : f32 to vector<16xf32>
      %mul3A_216 = arith.mulf %mul3A_215, %max3A_104 : vector<16xf32>
      %mul3A_217 = arith.mulf %mul3A_216, %mul3A_213 : vector<16xf32>
      %mul3A_218 = arith.mulf %mul3A_217, %mul3A_213 : vector<16xf32>
      %sub3A_219 = arith.constant 1.500000e+00 : f32
      %sub3A_220 = vector.broadcast %sub3A_219 : f32 to vector<16xf32>
      %sub3A_221 = arith.subf %sub3A_220, %mul3A_218 : vector<16xf32>
      %mul3A_222 = arith.mulf %mul3A_213, %sub3A_221 : vector<16xf32>
      %mul3A_223 = arith.constant 5.000000e-01 : f32
      %mul3A_224 = vector.broadcast %mul3A_223 : f32 to vector<16xf32>
      %mul3A_225 = arith.mulf %mul3A_224, %max3A_104 : vector<16xf32>
      %mul3A_226 = arith.mulf %mul3A_225, %mul3A_222 : vector<16xf32>
      %mul3A_227 = arith.mulf %mul3A_226, %mul3A_222 : vector<16xf32>
      %sub3A_228 = arith.constant 1.500000e+00 : f32
      %sub3A_229 = vector.broadcast %sub3A_228 : f32 to vector<16xf32>
      %sub3A_230 = arith.subf %sub3A_229, %mul3A_227 : vector<16xf32>
      %mul3A_231 = arith.mulf %mul3A_222, %sub3A_230 : vector<16xf32>
      %mul3A_232 = arith.constant 5.000000e-01 : f32
      %mul3A_233 = vector.broadcast %mul3A_232 : f32 to vector<16xf32>
      %mul3A_234 = arith.mulf %mul3A_233, %max3A_104 : vector<16xf32>
      %mul3A_235 = arith.mulf %mul3A_234, %mul3A_231 : vector<16xf32>
      %mul3A_236 = arith.mulf %mul3A_235, %mul3A_231 : vector<16xf32>
      %sub3A_237 = arith.constant 1.500000e+00 : f32
      %sub3A_238 = vector.broadcast %sub3A_237 : f32 to vector<16xf32>
      %sub3A_239 = arith.subf %sub3A_238, %mul3A_236 : vector<16xf32>
      %mul3A_240 = arith.mulf %mul3A_231, %sub3A_239 : vector<16xf32>
      %mul3A_241 = arith.constant 5.000000e-01 : f32
      %mul3A_242 = vector.broadcast %mul3A_241 : f32 to vector<16xf32>
      %mul3A_243 = arith.mulf %mul3A_242, %max3A_104 : vector<16xf32>
      %mul3A_244 = arith.mulf %mul3A_243, %mul3A_240 : vector<16xf32>
      %mul3A_245 = arith.mulf %mul3A_244, %mul3A_240 : vector<16xf32>
      %sub3A_246 = arith.constant 1.500000e+00 : f32
      %sub3A_247 = vector.broadcast %sub3A_246 : f32 to vector<16xf32>
      %sub3A_248 = arith.subf %sub3A_247, %mul3A_245 : vector<16xf32>
      %mul3A_249 = arith.mulf %mul3A_240, %sub3A_248 : vector<16xf32>
      %mul3A_250 = arith.constant 5.000000e-01 : f32
      %mul3A_251 = vector.broadcast %mul3A_250 : f32 to vector<16xf32>
      %mul3A_252 = arith.mulf %mul3A_251, %max3A_104 : vector<16xf32>
      %mul3A_253 = arith.mulf %mul3A_252, %mul3A_249 : vector<16xf32>
      %mul3A_254 = arith.mulf %mul3A_253, %mul3A_249 : vector<16xf32>
      %sub3A_255 = arith.constant 1.500000e+00 : f32
      %sub3A_256 = vector.broadcast %sub3A_255 : f32 to vector<16xf32>
      %sub3A_257 = arith.subf %sub3A_256, %mul3A_254 : vector<16xf32>
      %mul3A_258 = arith.mulf %mul3A_249, %sub3A_257 : vector<16xf32>
      %mul3A_259 = arith.constant 5.000000e-01 : f32
      %mul3A_260 = vector.broadcast %mul3A_259 : f32 to vector<16xf32>
      %mul3A_261 = arith.mulf %mul3A_260, %max3A_104 : vector<16xf32>
      %mul3A_262 = arith.mulf %mul3A_261, %mul3A_258 : vector<16xf32>
      %mul3A_263 = arith.mulf %mul3A_262, %mul3A_258 : vector<16xf32>
      %sub3A_264 = arith.constant 1.500000e+00 : f32
      %sub3A_265 = vector.broadcast %sub3A_264 : f32 to vector<16xf32>
      %sub3A_266 = arith.subf %sub3A_265, %mul3A_263 : vector<16xf32>
      %mul3A_267 = arith.mulf %mul3A_258, %sub3A_266 : vector<16xf32>
      %mul3A_268 = arith.constant 5.000000e-01 : f32
      %mul3A_269 = vector.broadcast %mul3A_268 : f32 to vector<16xf32>
      %mul3A_270 = arith.mulf %mul3A_269, %max3A_104 : vector<16xf32>
      %mul3A_271 = arith.mulf %mul3A_270, %mul3A_267 : vector<16xf32>
      %mul3A_272 = arith.mulf %mul3A_271, %mul3A_267 : vector<16xf32>
      %sub3A_273 = arith.constant 1.500000e+00 : f32
      %sub3A_274 = vector.broadcast %sub3A_273 : f32 to vector<16xf32>
      %sub3A_275 = arith.subf %sub3A_274, %mul3A_272 : vector<16xf32>
      %mul3A_276 = arith.mulf %mul3A_267, %sub3A_275 : vector<16xf32>
      %mul3A_277 = arith.constant 5.000000e-01 : f32
      %mul3A_278 = vector.broadcast %mul3A_277 : f32 to vector<16xf32>
      %mul3A_279 = arith.mulf %mul3A_278, %max3A_104 : vector<16xf32>
      %mul3A_280 = arith.mulf %mul3A_279, %mul3A_276 : vector<16xf32>
      %mul3A_281 = arith.mulf %mul3A_280, %mul3A_276 : vector<16xf32>
      %sub3A_282 = arith.constant 1.500000e+00 : f32
      %sub3A_283 = vector.broadcast %sub3A_282 : f32 to vector<16xf32>
      %sub3A_284 = arith.subf %sub3A_283, %mul3A_281 : vector<16xf32>
      %mul3A_285 = arith.mulf %mul3A_276, %sub3A_284 : vector<16xf32>
      %mul3A_286 = arith.constant 5.000000e-01 : f32
      %mul3A_287 = vector.broadcast %mul3A_286 : f32 to vector<16xf32>
      %mul3A_288 = arith.mulf %mul3A_287, %max3A_104 : vector<16xf32>
      %mul3A_289 = arith.mulf %mul3A_288, %mul3A_285 : vector<16xf32>
      %mul3A_290 = arith.mulf %mul3A_289, %mul3A_285 : vector<16xf32>
      %sub3A_291 = arith.constant 1.500000e+00 : f32
      %sub3A_292 = vector.broadcast %sub3A_291 : f32 to vector<16xf32>
      %sub3A_293 = arith.subf %sub3A_292, %mul3A_290 : vector<16xf32>
      %mul3A_294 = arith.mulf %mul3A_285, %sub3A_293 : vector<16xf32>
      %mul3A_295 = arith.constant 5.000000e-01 : f32
      %mul3A_296 = vector.broadcast %mul3A_295 : f32 to vector<16xf32>
      %mul3A_297 = arith.mulf %mul3A_296, %max3A_104 : vector<16xf32>
      %mul3A_298 = arith.mulf %mul3A_297, %mul3A_294 : vector<16xf32>
      %mul3A_299 = arith.mulf %mul3A_298, %mul3A_294 : vector<16xf32>
      %sub3A_300 = arith.constant 1.500000e+00 : f32
      %sub3A_301 = vector.broadcast %sub3A_300 : f32 to vector<16xf32>
      %sub3A_302 = arith.subf %sub3A_301, %mul3A_299 : vector<16xf32>
      %mul3A_303 = arith.mulf %mul3A_294, %sub3A_302 : vector<16xf32>
      %mul3A_304 = arith.constant 16 : i32
      %mul3A_305 = arith.muli %mul3A_304, %scan3A_97 : i32
      %get3A_306 = arith.index_cast %mul3A_305 : i32 to index
      %get3A_307 = tpu.vector_load %arg12[%get3A_306] {strides = array<i32>} : memref<656xf32, #tpu.memory_space<vmem>>, vector<16xf32>,
      %get3A_308 = vector.shape_cast %get3A_307 : vector<16xf32> to vector<16xf32>
      %gt3A = arith.constant 5.000000e-01 : f32
      %gt3A_309 = vector.broadcast %gt3A : f32 to vector<16xf32>
      %gt3A_310 = arith.cmpf ogt, %get3A_308, %gt3A_309 : vector<16xf32>
      %jit3A = arith.constant 0.000000e+00 : f32
      %broadcast_in_dim3A_311 = vector.broadcast %jit3A : f32 to vector<16xf32>
      %select_n3A = arith.select %gt3A_310, %mul3A_303, %broadcast_in_dim3A_311 : vector<16xi1>, vector<16xf32>
      %mul3A_312 = arith.constant 16 : i32
      %mul3A_313 = arith.muli %mul3A_312, %scan3A_97 : i32
      %swap3A_314 = arith.index_cast %mul3A_313 : i32 to index
      %swap3A_315 = tpu.vector_load %arg12[%swap3A_314] {strides = array<i32>} : memref<656xf32, #tpu.memory_space<vmem>>, vector<16xf32>,
      %swap3A_316 = vector.shape_cast %swap3A_315 : vector<16xf32> to vector<16xf32>
      %swap3A_317 = vector.shape_cast %select_n3A : vector<16xf32> to vector<16xf32>
      tpu.vector_store %arg12[%swap3A_314], %swap3A_317 {strides = array<i32>} : memref<656xf32, #tpu.memory_space<vmem>>, vector<16xf32>,
      %scan3A_318 = arith.constant 0 : i32
      scf.yield %scan3A_318 : i32
    }
    %scan3A_73 = arith.constant 40 : i32
    %scan3A_74 = arith.constant 0 : i32
    %scan3A_75 = arith.constant 0 : i32
    %scan3A_76 = arith.constant 5 : i32
    %scan3A_77 = arith.addi %scan3A_75, %scan3A_76 : i32
    %scan3A_78 = arith.constant 1 : i32
    %scan3A_79 = scf.for %scan3A_97 = %scan3A_75 to %scan3A_77 step %scan3A_78 iter_args(%scan3A_98 = %scan3A_74) -> (i32)  : i32 {
      %add3A_99 = arith.addi %mul3A_2, %mul3A_0 : i32
      %mul3A_100 = arith.constant 128 : i32
      %mul3A_101 = arith.muli %mul3A_100, %scan3A_97 : i32
      %add3A_102 = arith.addi %add3A_99, %mul3A_101 : i32
      "tpu.region"() ({
        %run_scoped3A = tpu.sem_alloc : memref<!tpu.dma_semaphore, #tpu.memory_space<semaphore_mem>>
        %dma_start3A = arith.constant 0 : i32
        %dma_start3A_114 = tpu.memref_slice %arg2[%add3A_102, %dma_start3A] : memref<20480x64xf32, #tpu.memory_space<hbm>> -> memref<128x64xf32, #tpu.memory_space<hbm>>
        %dma_start3A_115 = arith.constant 0 : i32
        %dma_start3A_116 = tpu.memref_slice %arg2[%add3A_102, %dma_start3A_115] : memref<20480x64xf32, #tpu.memory_space<hbm>> -> memref<128x64xf32, #tpu.memory_space<hbm>>
        tpu.enqueue_dma source(%dma_start3A_116 : memref<128x64xf32, #tpu.memory_space<hbm>>) target(%arg13 : memref<128x64xf32, #tpu.memory_space<vmem>>) target_semaphore(%run_scoped3A : memref<!tpu.dma_semaphore, #tpu.memory_space<semaphore_mem>>)
        %dma_wait3A = arith.constant 0 : i32
        %dma_wait3A_117 = tpu.memref_slice %arg2[%add3A_102, %dma_wait3A] : memref<20480x64xf32, #tpu.memory_space<hbm>> -> memref<128x64xf32, #tpu.memory_space<hbm>>
        %dma_wait3A_118 = arith.constant 0 : i32
        %dma_wait3A_119 = tpu.memref_slice %arg2[%add3A_102, %dma_wait3A_118] : memref<20480x64xf32, #tpu.memory_space<hbm>> -> memref<128x64xf32, #tpu.memory_space<hbm>>
        tpu.wait_dma2 semaphore(%run_scoped3A : memref<!tpu.dma_semaphore, #tpu.memory_space<semaphore_mem>>) src(%dma_wait3A_119 : memref<128x64xf32, #tpu.memory_space<hbm>>) dst(%arg13 : memref<128x64xf32, #tpu.memory_space<vmem>>)
        tpu.yield
      }) : () -> ()
      %scan3A_103 = arith.constant 0 : i32
      %scan3A_104 = arith.constant 0 : i32
      %scan3A_105 = arith.constant 128 : i32
      %scan3A_106 = arith.addi %scan3A_104, %scan3A_105 : i32
      %scan3A_107 = arith.constant 1 : i32
      %scan3A_108 = scf.for %scan3A_114 = %scan3A_104 to %scan3A_106 step %scan3A_107 iter_args(%scan3A_115 = %scan3A_103) -> (i32)  : i32 {
        %mul3A_116 = arith.constant 128 : i32
        %mul3A_117 = arith.muli %mul3A_116, %scan3A_97 : i32
        %add3A_118 = arith.addi %mul3A_117, %scan3A_114 : i32
        %get3A = arith.index_cast %add3A_118 : i32 to index
        %get3A_119 = tpu.vector_load %arg12[%get3A] {strides = array<i32>} : memref<656xf32, #tpu.memory_space<vmem>>, vector<16xf32>,
        %get3A_120 = vector.shape_cast %get3A_119 : vector<16xf32> to vector<16xf32>
        %slice3A = vector.extract_strided_slice %get3A_120 {offsets = [0], sizes = [1], strides = [1]} : vector<16xf32> to vector<1xf32>
        %squeeze3A = vector.extract %slice3A[0] : f32 from vector<1xf32>
        %get3A_121 = arith.index_cast %scan3A_114 : i32 to index
        %get3A_122 = arith.constant 0 : index
        %get3A_123 = tpu.vector_load %arg13[%get3A_121, %get3A_122] {strides = array<i32>} : memref<128x64xf32, #tpu.memory_space<vmem>>, vector<1x16xf32>,
        %get3A_124 = vector.shape_cast %get3A_123 : vector<1x16xf32> to vector<16xf32>
        %mul3A_125 = vector.broadcast %squeeze3A : f32 to vector<16xf32>
        %mul3A_126 = arith.mulf %get3A_124, %mul3A_125 : vector<16xf32>
        %swap3A_127 = arith.index_cast %scan3A_114 : i32 to index
        %swap3A_128 = arith.constant 0 : index
        %swap3A_129 = tpu.vector_load %arg13[%swap3A_127, %swap3A_128] {strides = array<i32>} : memref<128x64xf32, #tpu.memory_space<vmem>>, vector<1x16xf32>,
        %swap3A_130 = vector.shape_cast %swap3A_129 : vector<1x16xf32> to vector<16xf32>
        %swap3A_131 = vector.shape_cast %mul3A_126 : vector<16xf32> to vector<1x16xf32>
        tpu.vector_store %arg13[%swap3A_127, %swap3A_128], %swap3A_131 {strides = array<i32>} : memref<128x64xf32, #tpu.memory_space<vmem>>, vector<1x16xf32>,
        %get3A_132 = arith.index_cast %scan3A_114 : i32 to index
        %get3A_133 = arith.constant 16 : index
        %get3A_134 = tpu.vector_load %arg13[%get3A_132, %get3A_133] {strides = array<i32>} : memref<128x64xf32, #tpu.memory_space<vmem>>, vector<1x16xf32>,
        %get3A_135 = vector.shape_cast %get3A_134 : vector<1x16xf32> to vector<16xf32>
        %mul3A_136 = vector.broadcast %squeeze3A : f32 to vector<16xf32>
        %mul3A_137 = arith.mulf %get3A_135, %mul3A_136 : vector<16xf32>
        %swap3A_138 = arith.index_cast %scan3A_114 : i32 to index
        %swap3A_139 = arith.constant 16 : index
        %swap3A_140 = tpu.vector_load %arg13[%swap3A_138, %swap3A_139] {strides = array<i32>} : memref<128x64xf32, #tpu.memory_space<vmem>>, vector<1x16xf32>,
        %swap3A_141 = vector.shape_cast %swap3A_140 : vector<1x16xf32> to vector<16xf32>
        %swap3A_142 = vector.shape_cast %mul3A_137 : vector<16xf32> to vector<1x16xf32>
        tpu.vector_store %arg13[%swap3A_138, %swap3A_139], %swap3A_142 {strides = array<i32>} : memref<128x64xf32, #tpu.memory_space<vmem>>, vector<1x16xf32>,
        %get3A_143 = arith.index_cast %scan3A_114 : i32 to index
        %get3A_144 = arith.constant 32 : index
        %get3A_145 = tpu.vector_load %arg13[%get3A_143, %get3A_144] {strides = array<i32>} : memref<128x64xf32, #tpu.memory_space<vmem>>, vector<1x16xf32>,
        %get3A_146 = vector.shape_cast %get3A_145 : vector<1x16xf32> to vector<16xf32>
        %mul3A_147 = vector.broadcast %squeeze3A : f32 to vector<16xf32>
        %mul3A_148 = arith.mulf %get3A_146, %mul3A_147 : vector<16xf32>
        %swap3A_149 = arith.index_cast %scan3A_114 : i32 to index
        %swap3A_150 = arith.constant 32 : index
        %swap3A_151 = tpu.vector_load %arg13[%swap3A_149, %swap3A_150] {strides = array<i32>} : memref<128x64xf32, #tpu.memory_space<vmem>>, vector<1x16xf32>,
        %swap3A_152 = vector.shape_cast %swap3A_151 : vector<1x16xf32> to vector<16xf32>
        %swap3A_153 = vector.shape_cast %mul3A_148 : vector<16xf32> to vector<1x16xf32>
        tpu.vector_store %arg13[%swap3A_149, %swap3A_150], %swap3A_153 {strides = array<i32>} : memref<128x64xf32, #tpu.memory_space<vmem>>, vector<1x16xf32>,
        %get3A_154 = arith.index_cast %scan3A_114 : i32 to index
        %get3A_155 = arith.constant 48 : index
        %get3A_156 = tpu.vector_load %arg13[%get3A_154, %get3A_155] {strides = array<i32>} : memref<128x64xf32, #tpu.memory_space<vmem>>, vector<1x16xf32>,
        %get3A_157 = vector.shape_cast %get3A_156 : vector<1x16xf32> to vector<16xf32>
        %mul3A_158 = vector.broadcast %squeeze3A : f32 to vector<16xf32>
        %mul3A_159 = arith.mulf %get3A_157, %mul3A_158 : vector<16xf32>
        %swap3A_160 = arith.index_cast %scan3A_114 : i32 to index
        %swap3A_161 = arith.constant 48 : index
        %swap3A_162 = tpu.vector_load %arg13[%swap3A_160, %swap3A_161] {strides = array<i32>} : memref<128x64xf32, #tpu.memory_space<vmem>>, vector<1x16xf32>,
        %swap3A_163 = vector.shape_cast %swap3A_162 : vector<1x16xf32> to vector<16xf32>
        %swap3A_164 = vector.shape_cast %mul3A_159 : vector<16xf32> to vector<1x16xf32>
        tpu.vector_store %arg13[%swap3A_160, %swap3A_161], %swap3A_164 {strides = array<i32>} : memref<128x64xf32, #tpu.memory_space<vmem>>, vector<1x16xf32>,
        %scan3A_165 = arith.constant 0 : i32
        scf.yield %scan3A_165 : i32
      }
      %scan3A_109 = arith.constant 128 : i32
      %mul3A_110 = arith.constant 128 : i32
      %mul3A_111 = arith.muli %mul3A_110, %scan3A_97 : i32
      %add3A_112 = arith.addi %mul3A_0, %mul3A_111 : i32
      "tpu.region"() ({
        %run_scoped3A = tpu.sem_alloc : memref<!tpu.dma_semaphore, #tpu.memory_space<semaphore_mem>>
        %dma_start3A = arith.constant 0 : i32
        %dma_start3A_114 = tpu.memref_slice %arg6[%add3A_112, %dma_start3A] : memref<10240x64xf32, #tpu.memory_space<vmem_shared>> -> memref<128x64xf32, #tpu.memory_space<vmem_shared>>
        %dma_start3A_115 = arith.constant 0 : i32
        %dma_start3A_116 = tpu.memref_slice %arg6[%add3A_112, %dma_start3A_115] : memref<10240x64xf32, #tpu.memory_space<vmem_shared>> -> memref<128x64xf32, #tpu.memory_space<vmem_shared>>
        tpu.enqueue_dma source(%arg13 : memref<128x64xf32, #tpu.memory_space<vmem>>) target(%dma_start3A_116 : memref<128x64xf32, #tpu.memory_space<vmem_shared>>) target_semaphore(%run_scoped3A : memref<!tpu.dma_semaphore, #tpu.memory_space<semaphore_mem>>)
        %dma_wait3A = arith.constant 0 : i32
        %dma_wait3A_117 = tpu.memref_slice %arg6[%add3A_112, %dma_wait3A] : memref<10240x64xf32, #tpu.memory_space<vmem_shared>> -> memref<128x64xf32, #tpu.memory_space<vmem_shared>>
        %dma_wait3A_118 = arith.constant 0 : i32
        %dma_wait3A_119 = tpu.memref_slice %arg6[%add3A_112, %dma_wait3A_118] : memref<10240x64xf32, #tpu.memory_space<vmem_shared>> -> memref<128x64xf32, #tpu.memory_space<vmem_shared>>
        tpu.wait_dma2 semaphore(%run_scoped3A : memref<!tpu.dma_semaphore, #tpu.memory_space<semaphore_mem>>) src(%arg13 : memref<128x64xf32, #tpu.memory_space<vmem>>) dst(%dma_wait3A_119 : memref<128x64xf32, #tpu.memory_space<vmem_shared>>)
        tpu.yield
      }) : () -> ()
      %scan3A_113 = arith.constant 0 : i32
      scf.yield %scan3A_113 : i32
    }
    %scan3A_80 = arith.constant 5 : i32
    %barrier3A_81 = arith.constant 0 : index
    tpu.barrier barrier_id(%barrier3A_81)
    %scan3A_82 = arith.constant 0 : i32
    %scan3A_83 = arith.constant 0 : i32
    %scan3A_84 = arith.constant 20 : i32
    %scan3A_85 = arith.addi %scan3A_83, %scan3A_84 : i32
    %scan3A_86 = arith.constant 1 : i32
    %scan3A_87 = scf.for %scan3A_97 = %scan3A_83 to %scan3A_85 step %scan3A_86 iter_args(%scan3A_98 = %scan3A_82) -> (i32)  : i32 {
      %mul3A_99 = arith.constant 160 : i32
      %mul3A_100 = arith.muli %arg1, %mul3A_99 : i32
      %mul3A_101 = arith.constant 8 : i32
      %mul3A_102 = arith.muli %mul3A_101, %scan3A_97 : i32
      %add3A_103 = arith.addi %mul3A_100, %mul3A_102 : i32
      "tpu.region"() ({
        %run_scoped3A_125 = tpu.sem_alloc : memref<!tpu.dma_semaphore, #tpu.memory_space<semaphore_mem>>
        %dma_start3A = arith.constant 0 : i32
        %dma_start3A_126 = tpu.memref_slice %arg4[%add3A_103, %dma_start3A] : memref<2560x128xi32, #tpu.memory_space<hbm>> -> memref<8x128xi32, #tpu.memory_space<hbm>>
        %dma_start3A_127 = arith.constant 0 : i32
        %dma_start3A_128 = tpu.memref_slice %arg4[%add3A_103, %dma_start3A_127] : memref<2560x128xi32, #tpu.memory_space<hbm>> -> memref<8x128xi32, #tpu.memory_space<hbm>>
        tpu.enqueue_dma source(%dma_start3A_128 : memref<8x128xi32, #tpu.memory_space<hbm>>) target(%arg9 : memref<8x128xi32, #tpu.memory_space<vmem>>) target_semaphore(%run_scoped3A_125 : memref<!tpu.dma_semaphore, #tpu.memory_space<semaphore_mem>>)
        %dma_wait3A = arith.constant 0 : i32
        %dma_wait3A_129 = tpu.memref_slice %arg4[%add3A_103, %dma_wait3A] : memref<2560x128xi32, #tpu.memory_space<hbm>> -> memref<8x128xi32, #tpu.memory_space<hbm>>
        %dma_wait3A_130 = arith.constant 0 : i32
        %dma_wait3A_131 = tpu.memref_slice %arg4[%add3A_103, %dma_wait3A_130] : memref<2560x128xi32, #tpu.memory_space<hbm>> -> memref<8x128xi32, #tpu.memory_space<hbm>>
        tpu.wait_dma2 semaphore(%run_scoped3A_125 : memref<!tpu.dma_semaphore, #tpu.memory_space<semaphore_mem>>) src(%dma_wait3A_131 : memref<8x128xi32, #tpu.memory_space<hbm>>) dst(%arg9 : memref<8x128xi32, #tpu.memory_space<vmem>>)
        tpu.yield
      }) : () -> ()
      %mul3A_104 = arith.constant 160 : i32
      %mul3A_105 = arith.muli %arg1, %mul3A_104 : i32
      %mul3A_106 = arith.constant 8 : i32
      %mul3A_107 = arith.muli %mul3A_106, %scan3A_97 : i32
      %add3A_108 = arith.addi %mul3A_105, %mul3A_107 : i32
      "tpu.region"() ({
        %run_scoped3A_125 = tpu.sem_alloc : memref<!tpu.dma_semaphore, #tpu.memory_space<semaphore_mem>>
        %dma_start3A = arith.constant 0 : i32
        %dma_start3A_126 = tpu.memref_slice %arg3[%add3A_108, %dma_start3A] : memref<2560x128xi32, #tpu.memory_space<hbm>> -> memref<8x128xi32, #tpu.memory_space<hbm>>
        %dma_start3A_127 = arith.constant 0 : i32
        %dma_start3A_128 = tpu.memref_slice %arg3[%add3A_108, %dma_start3A_127] : memref<2560x128xi32, #tpu.memory_space<hbm>> -> memref<8x128xi32, #tpu.memory_space<hbm>>
        tpu.enqueue_dma source(%dma_start3A_128 : memref<8x128xi32, #tpu.memory_space<hbm>>) target(%arg10 : memref<8x128xi32, #tpu.memory_space<vmem>>) target_semaphore(%run_scoped3A_125 : memref<!tpu.dma_semaphore, #tpu.memory_space<semaphore_mem>>)
        %dma_wait3A = arith.constant 0 : i32
        %dma_wait3A_129 = tpu.memref_slice %arg3[%add3A_108, %dma_wait3A] : memref<2560x128xi32, #tpu.memory_space<hbm>> -> memref<8x128xi32, #tpu.memory_space<hbm>>
        %dma_wait3A_130 = arith.constant 0 : i32
        %dma_wait3A_131 = tpu.memref_slice %arg3[%add3A_108, %dma_wait3A_130] : memref<2560x128xi32, #tpu.memory_space<hbm>> -> memref<8x128xi32, #tpu.memory_space<hbm>>
        tpu.wait_dma2 semaphore(%run_scoped3A_125 : memref<!tpu.dma_semaphore, #tpu.memory_space<semaphore_mem>>) src(%dma_wait3A_131 : memref<8x128xi32, #tpu.memory_space<hbm>>) dst(%arg10 : memref<8x128xi32, #tpu.memory_space<vmem>>)
        tpu.yield
      }) : () -> ()
      %run_scoped3A = arith.constant 0 : i32
      "tpu.region"() ({
        %run_scoped3A_125 = tpu.sem_alloc : memref<!tpu.dma_semaphore, #tpu.memory_space<semaphore_mem>>
        %dma_start3A = arith.constant 0 : i32
        %dma_start3A_126 = tpu.memref_slice %arg9[%run_scoped3A, %dma_start3A] : memref<8x128xi32, #tpu.memory_space<vmem>> -> memref<1x128xi32, #tpu.memory_space<vmem>>
        %dma_start3A_127 = tpu.memref_squeeze %dma_start3A_126 : memref<1x128xi32, #tpu.memory_space<vmem>> -> memref<128xi32, #tpu.memory_space<vmem>>
        %dma_start3A_128 = arith.constant 0 : i32
        %dma_start3A_129 = arith.constant 0 : i32
        %dma_start3A_130 = tpu.memref_slice %arg6[%dma_start3A_128, %dma_start3A_129] : memref<10240x64xf32, #tpu.memory_space<vmem_shared>> -> memref<10240x64xf32, #tpu.memory_space<vmem_shared>>
        tpu.enqueue_indirect_dma source(%dma_start3A_130 : memref<10240x64xf32, #tpu.memory_space<vmem_shared>>) target(%arg14 : memref<128x64xf32, #tpu.memory_space<vmem>>) offsets(%dma_start3A_127 : memref<128xi32, #tpu.memory_space<vmem>>) semaphore(%run_scoped3A_125 : memref<!tpu.dma_semaphore, #tpu.memory_space<semaphore_mem>>)
        %dma_wait3A = arith.constant 0 : i32
        %dma_wait3A_131 = tpu.memref_slice %arg9[%run_scoped3A, %dma_wait3A] : memref<8x128xi32, #tpu.memory_space<vmem>> -> memref<1x128xi32, #tpu.memory_space<vmem>>
        %dma_wait3A_132 = tpu.memref_squeeze %dma_wait3A_131 : memref<1x128xi32, #tpu.memory_space<vmem>> -> memref<128xi32, #tpu.memory_space<vmem>>
        %dma_wait3A_133 = arith.constant 0 : i32
        %dma_wait3A_134 = arith.constant 0 : i32
        %dma_wait3A_135 = tpu.memref_slice %arg6[%dma_wait3A_133, %dma_wait3A_134] : memref<10240x64xf32, #tpu.memory_space<vmem_shared>> -> memref<10240x64xf32, #tpu.memory_space<vmem_shared>>
        tpu.wait_indirect_dma semaphore(%run_scoped3A_125 : memref<!tpu.dma_semaphore, #tpu.memory_space<semaphore_mem>>) src(%dma_wait3A_135 : memref<10240x64xf32, #tpu.memory_space<vmem_shared>>) dst(%arg14 : memref<128x64xf32, #tpu.memory_space<vmem>>)
        tpu.yield
      }) : () -> ()
      %run_scoped3A_109 = arith.constant 0 : i32
      "tpu.region"() ({
        %run_scoped3A_125 = tpu.sem_alloc : memref<!tpu.dma_semaphore, #tpu.memory_space<semaphore_mem>>
        %dma_start3A = arith.constant 0 : i32
        %dma_start3A_126 = tpu.memref_slice %arg10[%run_scoped3A_109, %dma_start3A] : memref<8x128xi32, #tpu.memory_space<vmem>> -> memref<1x128xi32, #tpu.memory_space<vmem>>
        %dma_start3A_127 = tpu.memref_squeeze %dma_start3A_126 : memref<1x128xi32, #tpu.memory_space<vmem>> -> memref<128xi32, #tpu.memory_space<vmem>>
        %dma_start3A_128 = arith.constant 0 : i32
        %dma_start3A_129 = arith.constant 0 : i32
        %dma_start3A_130 = tpu.memref_slice %arg7[%dma_start3A_128, %dma_start3A_129] : memref<10240x64xf32, #tpu.memory_space<vmem_shared>> -> memref<10240x64xf32, #tpu.memory_space<vmem_shared>>
        tpu.enqueue_indirect_dma source(%arg14 : memref<128x64xf32, #tpu.memory_space<vmem>>) target(%dma_start3A_130 : memref<10240x64xf32, #tpu.memory_space<vmem_shared>>) offsets(%dma_start3A_127 : memref<128xi32, #tpu.memory_space<vmem>>) semaphore(%run_scoped3A_125 : memref<!tpu.dma_semaphore, #tpu.memory_space<semaphore_mem>>) {add = true}
        %dma_wait3A = arith.constant 0 : i32
        %dma_wait3A_131 = tpu.memref_slice %arg10[%run_scoped3A_109, %dma_wait3A] : memref<8x128xi32, #tpu.memory_space<vmem>> -> memref<1x128xi32, #tpu.memory_space<vmem>>
        %dma_wait3A_132 = tpu.memref_squeeze %dma_wait3A_131 : memref<1x128xi32, #tpu.memory_space<vmem>> -> memref<128xi32, #tpu.memory_space<vmem>>
        %dma_wait3A_133 = arith.constant 0 : i32
        %dma_wait3A_134 = arith.constant 0 : i32
        %dma_wait3A_135 = tpu.memref_slice %arg7[%dma_wait3A_133, %dma_wait3A_134] : memref<10240x64xf32, #tpu.memory_space<vmem_shared>> -> memref<10240x64xf32, #tpu.memory_space<vmem_shared>>
        tpu.wait_indirect_dma semaphore(%run_scoped3A_125 : memref<!tpu.dma_semaphore, #tpu.memory_space<semaphore_mem>>) src(%arg14 : memref<128x64xf32, #tpu.memory_space<vmem>>) dst(%dma_wait3A_135 : memref<10240x64xf32, #tpu.memory_space<vmem_shared>>)
        tpu.yield
      }) : () -> ()
      %run_scoped3A_110 = arith.constant 1 : i32
      "tpu.region"() ({
        %run_scoped3A_125 = tpu.sem_alloc : memref<!tpu.dma_semaphore, #tpu.memory_space<semaphore_mem>>
        %dma_start3A = arith.constant 0 : i32
        %dma_start3A_126 = tpu.memref_slice %arg9[%run_scoped3A_110, %dma_start3A] : memref<8x128xi32, #tpu.memory_space<vmem>> -> memref<1x128xi32, #tpu.memory_space<vmem>>
        %dma_start3A_127 = tpu.memref_squeeze %dma_start3A_126 : memref<1x128xi32, #tpu.memory_space<vmem>> -> memref<128xi32, #tpu.memory_space<vmem>>
        %dma_start3A_128 = arith.constant 0 : i32
        %dma_start3A_129 = arith.constant 0 : i32
        %dma_start3A_130 = tpu.memref_slice %arg6[%dma_start3A_128, %dma_start3A_129] : memref<10240x64xf32, #tpu.memory_space<vmem_shared>> -> memref<10240x64xf32, #tpu.memory_space<vmem_shared>>
        tpu.enqueue_indirect_dma source(%dma_start3A_130 : memref<10240x64xf32, #tpu.memory_space<vmem_shared>>) target(%arg14 : memref<128x64xf32, #tpu.memory_space<vmem>>) offsets(%dma_start3A_127 : memref<128xi32, #tpu.memory_space<vmem>>) semaphore(%run_scoped3A_125 : memref<!tpu.dma_semaphore, #tpu.memory_space<semaphore_mem>>)
        %dma_wait3A = arith.constant 0 : i32
        %dma_wait3A_131 = tpu.memref_slice %arg9[%run_scoped3A_110, %dma_wait3A] : memref<8x128xi32, #tpu.memory_space<vmem>> -> memref<1x128xi32, #tpu.memory_space<vmem>>
        %dma_wait3A_132 = tpu.memref_squeeze %dma_wait3A_131 : memref<1x128xi32, #tpu.memory_space<vmem>> -> memref<128xi32, #tpu.memory_space<vmem>>
        %dma_wait3A_133 = arith.constant 0 : i32
        %dma_wait3A_134 = arith.constant 0 : i32
        %dma_wait3A_135 = tpu.memref_slice %arg6[%dma_wait3A_133, %dma_wait3A_134] : memref<10240x64xf32, #tpu.memory_space<vmem_shared>> -> memref<10240x64xf32, #tpu.memory_space<vmem_shared>>
        tpu.wait_indirect_dma semaphore(%run_scoped3A_125 : memref<!tpu.dma_semaphore, #tpu.memory_space<semaphore_mem>>) src(%dma_wait3A_135 : memref<10240x64xf32, #tpu.memory_space<vmem_shared>>) dst(%arg14 : memref<128x64xf32, #tpu.memory_space<vmem>>)
        tpu.yield
      }) : () -> ()
      %run_scoped3A_111 = arith.constant 1 : i32
      "tpu.region"() ({
        %run_scoped3A_125 = tpu.sem_alloc : memref<!tpu.dma_semaphore, #tpu.memory_space<semaphore_mem>>
        %dma_start3A = arith.constant 0 : i32
        %dma_start3A_126 = tpu.memref_slice %arg10[%run_scoped3A_111, %dma_start3A] : memref<8x128xi32, #tpu.memory_space<vmem>> -> memref<1x128xi32, #tpu.memory_space<vmem>>
        %dma_start3A_127 = tpu.memref_squeeze %dma_start3A_126 : memref<1x128xi32, #tpu.memory_space<vmem>> -> memref<128xi32, #tpu.memory_space<vmem>>
        %dma_start3A_128 = arith.constant 0 : i32
        %dma_start3A_129 = arith.constant 0 : i32
        %dma_start3A_130 = tpu.memref_slice %arg7[%dma_start3A_128, %dma_start3A_129] : memref<10240x64xf32, #tpu.memory_space<vmem_shared>> -> memref<10240x64xf32, #tpu.memory_space<vmem_shared>>
        tpu.enqueue_indirect_dma source(%arg14 : memref<128x64xf32, #tpu.memory_space<vmem>>) target(%dma_start3A_130 : memref<10240x64xf32, #tpu.memory_space<vmem_shared>>) offsets(%dma_start3A_127 : memref<128xi32, #tpu.memory_space<vmem>>) semaphore(%run_scoped3A_125 : memref<!tpu.dma_semaphore, #tpu.memory_space<semaphore_mem>>) {add = true}
        %dma_wait3A = arith.constant 0 : i32
        %dma_wait3A_131 = tpu.memref_slice %arg10[%run_scoped3A_111, %dma_wait3A] : memref<8x128xi32, #tpu.memory_space<vmem>> -> memref<1x128xi32, #tpu.memory_space<vmem>>
        %dma_wait3A_132 = tpu.memref_squeeze %dma_wait3A_131 : memref<1x128xi32, #tpu.memory_space<vmem>> -> memref<128xi32, #tpu.memory_space<vmem>>
        %dma_wait3A_133 = arith.constant 0 : i32
        %dma_wait3A_134 = arith.constant 0 : i32
        %dma_wait3A_135 = tpu.memref_slice %arg7[%dma_wait3A_133, %dma_wait3A_134] : memref<10240x64xf32, #tpu.memory_space<vmem_shared>> -> memref<10240x64xf32, #tpu.memory_space<vmem_shared>>
        tpu.wait_indirect_dma semaphore(%run_scoped3A_125 : memref<!tpu.dma_semaphore, #tpu.memory_space<semaphore_mem>>) src(%arg14 : memref<128x64xf32, #tpu.memory_space<vmem>>) dst(%dma_wait3A_135 : memref<10240x64xf32, #tpu.memory_space<vmem_shared>>)
        tpu.yield
      }) : () -> ()
      %run_scoped3A_112 = arith.constant 2 : i32
      "tpu.region"() ({
        %run_scoped3A_125 = tpu.sem_alloc : memref<!tpu.dma_semaphore, #tpu.memory_space<semaphore_mem>>
        %dma_start3A = arith.constant 0 : i32
        %dma_start3A_126 = tpu.memref_slice %arg9[%run_scoped3A_112, %dma_start3A] : memref<8x128xi32, #tpu.memory_space<vmem>> -> memref<1x128xi32, #tpu.memory_space<vmem>>
        %dma_start3A_127 = tpu.memref_squeeze %dma_start3A_126 : memref<1x128xi32, #tpu.memory_space<vmem>> -> memref<128xi32, #tpu.memory_space<vmem>>
        %dma_start3A_128 = arith.constant 0 : i32
        %dma_start3A_129 = arith.constant 0 : i32
        %dma_start3A_130 = tpu.memref_slice %arg6[%dma_start3A_128, %dma_start3A_129] : memref<10240x64xf32, #tpu.memory_space<vmem_shared>> -> memref<10240x64xf32, #tpu.memory_space<vmem_shared>>
        tpu.enqueue_indirect_dma source(%dma_start3A_130 : memref<10240x64xf32, #tpu.memory_space<vmem_shared>>) target(%arg14 : memref<128x64xf32, #tpu.memory_space<vmem>>) offsets(%dma_start3A_127 : memref<128xi32, #tpu.memory_space<vmem>>) semaphore(%run_scoped3A_125 : memref<!tpu.dma_semaphore, #tpu.memory_space<semaphore_mem>>)
        %dma_wait3A = arith.constant 0 : i32
        %dma_wait3A_131 = tpu.memref_slice %arg9[%run_scoped3A_112, %dma_wait3A] : memref<8x128xi32, #tpu.memory_space<vmem>> -> memref<1x128xi32, #tpu.memory_space<vmem>>
        %dma_wait3A_132 = tpu.memref_squeeze %dma_wait3A_131 : memref<1x128xi32, #tpu.memory_space<vmem>> -> memref<128xi32, #tpu.memory_space<vmem>>
        %dma_wait3A_133 = arith.constant 0 : i32
        %dma_wait3A_134 = arith.constant 0 : i32
        %dma_wait3A_135 = tpu.memref_slice %arg6[%dma_wait3A_133, %dma_wait3A_134] : memref<10240x64xf32, #tpu.memory_space<vmem_shared>> -> memref<10240x64xf32, #tpu.memory_space<vmem_shared>>
        tpu.wait_indirect_dma semaphore(%run_scoped3A_125 : memref<!tpu.dma_semaphore, #tpu.memory_space<semaphore_mem>>) src(%dma_wait3A_135 : memref<10240x64xf32, #tpu.memory_space<vmem_shared>>) dst(%arg14 : memref<128x64xf32, #tpu.memory_space<vmem>>)
        tpu.yield
      }) : () -> ()
      %run_scoped3A_113 = arith.constant 2 : i32
      "tpu.region"() ({
        %run_scoped3A_125 = tpu.sem_alloc : memref<!tpu.dma_semaphore, #tpu.memory_space<semaphore_mem>>
        %dma_start3A = arith.constant 0 : i32
        %dma_start3A_126 = tpu.memref_slice %arg10[%run_scoped3A_113, %dma_start3A] : memref<8x128xi32, #tpu.memory_space<vmem>> -> memref<1x128xi32, #tpu.memory_space<vmem>>
        %dma_start3A_127 = tpu.memref_squeeze %dma_start3A_126 : memref<1x128xi32, #tpu.memory_space<vmem>> -> memref<128xi32, #tpu.memory_space<vmem>>
        %dma_start3A_128 = arith.constant 0 : i32
        %dma_start3A_129 = arith.constant 0 : i32
        %dma_start3A_130 = tpu.memref_slice %arg7[%dma_start3A_128, %dma_start3A_129] : memref<10240x64xf32, #tpu.memory_space<vmem_shared>> -> memref<10240x64xf32, #tpu.memory_space<vmem_shared>>
        tpu.enqueue_indirect_dma source(%arg14 : memref<128x64xf32, #tpu.memory_space<vmem>>) target(%dma_start3A_130 : memref<10240x64xf32, #tpu.memory_space<vmem_shared>>) offsets(%dma_start3A_127 : memref<128xi32, #tpu.memory_space<vmem>>) semaphore(%run_scoped3A_125 : memref<!tpu.dma_semaphore, #tpu.memory_space<semaphore_mem>>) {add = true}
        %dma_wait3A = arith.constant 0 : i32
        %dma_wait3A_131 = tpu.memref_slice %arg10[%run_scoped3A_113, %dma_wait3A] : memref<8x128xi32, #tpu.memory_space<vmem>> -> memref<1x128xi32, #tpu.memory_space<vmem>>
        %dma_wait3A_132 = tpu.memref_squeeze %dma_wait3A_131 : memref<1x128xi32, #tpu.memory_space<vmem>> -> memref<128xi32, #tpu.memory_space<vmem>>
        %dma_wait3A_133 = arith.constant 0 : i32
        %dma_wait3A_134 = arith.constant 0 : i32
        %dma_wait3A_135 = tpu.memref_slice %arg7[%dma_wait3A_133, %dma_wait3A_134] : memref<10240x64xf32, #tpu.memory_space<vmem_shared>> -> memref<10240x64xf32, #tpu.memory_space<vmem_shared>>
        tpu.wait_indirect_dma semaphore(%run_scoped3A_125 : memref<!tpu.dma_semaphore, #tpu.memory_space<semaphore_mem>>) src(%arg14 : memref<128x64xf32, #tpu.memory_space<vmem>>) dst(%dma_wait3A_135 : memref<10240x64xf32, #tpu.memory_space<vmem_shared>>)
        tpu.yield
      }) : () -> ()
      %run_scoped3A_114 = arith.constant 3 : i32
      "tpu.region"() ({
        %run_scoped3A_125 = tpu.sem_alloc : memref<!tpu.dma_semaphore, #tpu.memory_space<semaphore_mem>>
        %dma_start3A = arith.constant 0 : i32
        %dma_start3A_126 = tpu.memref_slice %arg9[%run_scoped3A_114, %dma_start3A] : memref<8x128xi32, #tpu.memory_space<vmem>> -> memref<1x128xi32, #tpu.memory_space<vmem>>
        %dma_start3A_127 = tpu.memref_squeeze %dma_start3A_126 : memref<1x128xi32, #tpu.memory_space<vmem>> -> memref<128xi32, #tpu.memory_space<vmem>>
        %dma_start3A_128 = arith.constant 0 : i32
        %dma_start3A_129 = arith.constant 0 : i32
        %dma_start3A_130 = tpu.memref_slice %arg6[%dma_start3A_128, %dma_start3A_129] : memref<10240x64xf32, #tpu.memory_space<vmem_shared>> -> memref<10240x64xf32, #tpu.memory_space<vmem_shared>>
        tpu.enqueue_indirect_dma source(%dma_start3A_130 : memref<10240x64xf32, #tpu.memory_space<vmem_shared>>) target(%arg14 : memref<128x64xf32, #tpu.memory_space<vmem>>) offsets(%dma_start3A_127 : memref<128xi32, #tpu.memory_space<vmem>>) semaphore(%run_scoped3A_125 : memref<!tpu.dma_semaphore, #tpu.memory_space<semaphore_mem>>)
        %dma_wait3A = arith.constant 0 : i32
        %dma_wait3A_131 = tpu.memref_slice %arg9[%run_scoped3A_114, %dma_wait3A] : memref<8x128xi32, #tpu.memory_space<vmem>> -> memref<1x128xi32, #tpu.memory_space<vmem>>
        %dma_wait3A_132 = tpu.memref_squeeze %dma_wait3A_131 : memref<1x128xi32, #tpu.memory_space<vmem>> -> memref<128xi32, #tpu.memory_space<vmem>>
        %dma_wait3A_133 = arith.constant 0 : i32
        %dma_wait3A_134 = arith.constant 0 : i32
        %dma_wait3A_135 = tpu.memref_slice %arg6[%dma_wait3A_133, %dma_wait3A_134] : memref<10240x64xf32, #tpu.memory_space<vmem_shared>> -> memref<10240x64xf32, #tpu.memory_space<vmem_shared>>
        tpu.wait_indirect_dma semaphore(%run_scoped3A_125 : memref<!tpu.dma_semaphore, #tpu.memory_space<semaphore_mem>>) src(%dma_wait3A_135 : memref<10240x64xf32, #tpu.memory_space<vmem_shared>>) dst(%arg14 : memref<128x64xf32, #tpu.memory_space<vmem>>)
        tpu.yield
      }) : () -> ()
      %run_scoped3A_115 = arith.constant 3 : i32
      "tpu.region"() ({
        %run_scoped3A_125 = tpu.sem_alloc : memref<!tpu.dma_semaphore, #tpu.memory_space<semaphore_mem>>
        %dma_start3A = arith.constant 0 : i32
        %dma_start3A_126 = tpu.memref_slice %arg10[%run_scoped3A_115, %dma_start3A] : memref<8x128xi32, #tpu.memory_space<vmem>> -> memref<1x128xi32, #tpu.memory_space<vmem>>
        %dma_start3A_127 = tpu.memref_squeeze %dma_start3A_126 : memref<1x128xi32, #tpu.memory_space<vmem>> -> memref<128xi32, #tpu.memory_space<vmem>>
        %dma_start3A_128 = arith.constant 0 : i32
        %dma_start3A_129 = arith.constant 0 : i32
        %dma_start3A_130 = tpu.memref_slice %arg7[%dma_start3A_128, %dma_start3A_129] : memref<10240x64xf32, #tpu.memory_space<vmem_shared>> -> memref<10240x64xf32, #tpu.memory_space<vmem_shared>>
        tpu.enqueue_indirect_dma source(%arg14 : memref<128x64xf32, #tpu.memory_space<vmem>>) target(%dma_start3A_130 : memref<10240x64xf32, #tpu.memory_space<vmem_shared>>) offsets(%dma_start3A_127 : memref<128xi32, #tpu.memory_space<vmem>>) semaphore(%run_scoped3A_125 : memref<!tpu.dma_semaphore, #tpu.memory_space<semaphore_mem>>) {add = true}
        %dma_wait3A = arith.constant 0 : i32
        %dma_wait3A_131 = tpu.memref_slice %arg10[%run_scoped3A_115, %dma_wait3A] : memref<8x128xi32, #tpu.memory_space<vmem>> -> memref<1x128xi32, #tpu.memory_space<vmem>>
        %dma_wait3A_132 = tpu.memref_squeeze %dma_wait3A_131 : memref<1x128xi32, #tpu.memory_space<vmem>> -> memref<128xi32, #tpu.memory_space<vmem>>
        %dma_wait3A_133 = arith.constant 0 : i32
        %dma_wait3A_134 = arith.constant 0 : i32
        %dma_wait3A_135 = tpu.memref_slice %arg7[%dma_wait3A_133, %dma_wait3A_134] : memref<10240x64xf32, #tpu.memory_space<vmem_shared>> -> memref<10240x64xf32, #tpu.memory_space<vmem_shared>>
        tpu.wait_indirect_dma semaphore(%run_scoped3A_125 : memref<!tpu.dma_semaphore, #tpu.memory_space<semaphore_mem>>) src(%arg14 : memref<128x64xf32, #tpu.memory_space<vmem>>) dst(%dma_wait3A_135 : memref<10240x64xf32, #tpu.memory_space<vmem_shared>>)
        tpu.yield
      }) : () -> ()
      %run_scoped3A_116 = arith.constant 4 : i32
      "tpu.region"() ({
        %run_scoped3A_125 = tpu.sem_alloc : memref<!tpu.dma_semaphore, #tpu.memory_space<semaphore_mem>>
        %dma_start3A = arith.constant 0 : i32
        %dma_start3A_126 = tpu.memref_slice %arg9[%run_scoped3A_116, %dma_start3A] : memref<8x128xi32, #tpu.memory_space<vmem>> -> memref<1x128xi32, #tpu.memory_space<vmem>>
        %dma_start3A_127 = tpu.memref_squeeze %dma_start3A_126 : memref<1x128xi32, #tpu.memory_space<vmem>> -> memref<128xi32, #tpu.memory_space<vmem>>
        %dma_start3A_128 = arith.constant 0 : i32
        %dma_start3A_129 = arith.constant 0 : i32
        %dma_start3A_130 = tpu.memref_slice %arg6[%dma_start3A_128, %dma_start3A_129] : memref<10240x64xf32, #tpu.memory_space<vmem_shared>> -> memref<10240x64xf32, #tpu.memory_space<vmem_shared>>
        tpu.enqueue_indirect_dma source(%dma_start3A_130 : memref<10240x64xf32, #tpu.memory_space<vmem_shared>>) target(%arg14 : memref<128x64xf32, #tpu.memory_space<vmem>>) offsets(%dma_start3A_127 : memref<128xi32, #tpu.memory_space<vmem>>) semaphore(%run_scoped3A_125 : memref<!tpu.dma_semaphore, #tpu.memory_space<semaphore_mem>>)
        %dma_wait3A = arith.constant 0 : i32
        %dma_wait3A_131 = tpu.memref_slice %arg9[%run_scoped3A_116, %dma_wait3A] : memref<8x128xi32, #tpu.memory_space<vmem>> -> memref<1x128xi32, #tpu.memory_space<vmem>>
        %dma_wait3A_132 = tpu.memref_squeeze %dma_wait3A_131 : memref<1x128xi32, #tpu.memory_space<vmem>> -> memref<128xi32, #tpu.memory_space<vmem>>
        %dma_wait3A_133 = arith.constant 0 : i32
        %dma_wait3A_134 = arith.constant 0 : i32
        %dma_wait3A_135 = tpu.memref_slice %arg6[%dma_wait3A_133, %dma_wait3A_134] : memref<10240x64xf32, #tpu.memory_space<vmem_shared>> -> memref<10240x64xf32, #tpu.memory_space<vmem_shared>>
        tpu.wait_indirect_dma semaphore(%run_scoped3A_125 : memref<!tpu.dma_semaphore, #tpu.memory_space<semaphore_mem>>) src(%dma_wait3A_135 : memref<10240x64xf32, #tpu.memory_space<vmem_shared>>) dst(%arg14 : memref<128x64xf32, #tpu.memory_space<vmem>>)
        tpu.yield
      }) : () -> ()
      %run_scoped3A_117 = arith.constant 4 : i32
      "tpu.region"() ({
        %run_scoped3A_125 = tpu.sem_alloc : memref<!tpu.dma_semaphore, #tpu.memory_space<semaphore_mem>>
        %dma_start3A = arith.constant 0 : i32
        %dma_start3A_126 = tpu.memref_slice %arg10[%run_scoped3A_117, %dma_start3A] : memref<8x128xi32, #tpu.memory_space<vmem>> -> memref<1x128xi32, #tpu.memory_space<vmem>>
        %dma_start3A_127 = tpu.memref_squeeze %dma_start3A_126 : memref<1x128xi32, #tpu.memory_space<vmem>> -> memref<128xi32, #tpu.memory_space<vmem>>
        %dma_start3A_128 = arith.constant 0 : i32
        %dma_start3A_129 = arith.constant 0 : i32
        %dma_start3A_130 = tpu.memref_slice %arg7[%dma_start3A_128, %dma_start3A_129] : memref<10240x64xf32, #tpu.memory_space<vmem_shared>> -> memref<10240x64xf32, #tpu.memory_space<vmem_shared>>
        tpu.enqueue_indirect_dma source(%arg14 : memref<128x64xf32, #tpu.memory_space<vmem>>) target(%dma_start3A_130 : memref<10240x64xf32, #tpu.memory_space<vmem_shared>>) offsets(%dma_start3A_127 : memref<128xi32, #tpu.memory_space<vmem>>) semaphore(%run_scoped3A_125 : memref<!tpu.dma_semaphore, #tpu.memory_space<semaphore_mem>>) {add = true}
        %dma_wait3A = arith.constant 0 : i32
        %dma_wait3A_131 = tpu.memref_slice %arg10[%run_scoped3A_117, %dma_wait3A] : memref<8x128xi32, #tpu.memory_space<vmem>> -> memref<1x128xi32, #tpu.memory_space<vmem>>
        %dma_wait3A_132 = tpu.memref_squeeze %dma_wait3A_131 : memref<1x128xi32, #tpu.memory_space<vmem>> -> memref<128xi32, #tpu.memory_space<vmem>>
        %dma_wait3A_133 = arith.constant 0 : i32
        %dma_wait3A_134 = arith.constant 0 : i32
        %dma_wait3A_135 = tpu.memref_slice %arg7[%dma_wait3A_133, %dma_wait3A_134] : memref<10240x64xf32, #tpu.memory_space<vmem_shared>> -> memref<10240x64xf32, #tpu.memory_space<vmem_shared>>
        tpu.wait_indirect_dma semaphore(%run_scoped3A_125 : memref<!tpu.dma_semaphore, #tpu.memory_space<semaphore_mem>>) src(%arg14 : memref<128x64xf32, #tpu.memory_space<vmem>>) dst(%dma_wait3A_135 : memref<10240x64xf32, #tpu.memory_space<vmem_shared>>)
        tpu.yield
      }) : () -> ()
      %run_scoped3A_118 = arith.constant 5 : i32
      "tpu.region"() ({
        %run_scoped3A_125 = tpu.sem_alloc : memref<!tpu.dma_semaphore, #tpu.memory_space<semaphore_mem>>
        %dma_start3A = arith.constant 0 : i32
        %dma_start3A_126 = tpu.memref_slice %arg9[%run_scoped3A_118, %dma_start3A] : memref<8x128xi32, #tpu.memory_space<vmem>> -> memref<1x128xi32, #tpu.memory_space<vmem>>
        %dma_start3A_127 = tpu.memref_squeeze %dma_start3A_126 : memref<1x128xi32, #tpu.memory_space<vmem>> -> memref<128xi32, #tpu.memory_space<vmem>>
        %dma_start3A_128 = arith.constant 0 : i32
        %dma_start3A_129 = arith.constant 0 : i32
        %dma_start3A_130 = tpu.memref_slice %arg6[%dma_start3A_128, %dma_start3A_129] : memref<10240x64xf32, #tpu.memory_space<vmem_shared>> -> memref<10240x64xf32, #tpu.memory_space<vmem_shared>>
        tpu.enqueue_indirect_dma source(%dma_start3A_130 : memref<10240x64xf32, #tpu.memory_space<vmem_shared>>) target(%arg14 : memref<128x64xf32, #tpu.memory_space<vmem>>) offsets(%dma_start3A_127 : memref<128xi32, #tpu.memory_space<vmem>>) semaphore(%run_scoped3A_125 : memref<!tpu.dma_semaphore, #tpu.memory_space<semaphore_mem>>)
        %dma_wait3A = arith.constant 0 : i32
        %dma_wait3A_131 = tpu.memref_slice %arg9[%run_scoped3A_118, %dma_wait3A] : memref<8x128xi32, #tpu.memory_space<vmem>> -> memref<1x128xi32, #tpu.memory_space<vmem>>
        %dma_wait3A_132 = tpu.memref_squeeze %dma_wait3A_131 : memref<1x128xi32, #tpu.memory_space<vmem>> -> memref<128xi32, #tpu.memory_space<vmem>>
        %dma_wait3A_133 = arith.constant 0 : i32
        %dma_wait3A_134 = arith.constant 0 : i32
        %dma_wait3A_135 = tpu.memref_slice %arg6[%dma_wait3A_133, %dma_wait3A_134] : memref<10240x64xf32, #tpu.memory_space<vmem_shared>> -> memref<10240x64xf32, #tpu.memory_space<vmem_shared>>
        tpu.wait_indirect_dma semaphore(%run_scoped3A_125 : memref<!tpu.dma_semaphore, #tpu.memory_space<semaphore_mem>>) src(%dma_wait3A_135 : memref<10240x64xf32, #tpu.memory_space<vmem_shared>>) dst(%arg14 : memref<128x64xf32, #tpu.memory_space<vmem>>)
        tpu.yield
      }) : () -> ()
      %run_scoped3A_119 = arith.constant 5 : i32
      "tpu.region"() ({
        %run_scoped3A_125 = tpu.sem_alloc : memref<!tpu.dma_semaphore, #tpu.memory_space<semaphore_mem>>
        %dma_start3A = arith.constant 0 : i32
        %dma_start3A_126 = tpu.memref_slice %arg10[%run_scoped3A_119, %dma_start3A] : memref<8x128xi32, #tpu.memory_space<vmem>> -> memref<1x128xi32, #tpu.memory_space<vmem>>
        %dma_start3A_127 = tpu.memref_squeeze %dma_start3A_126 : memref<1x128xi32, #tpu.memory_space<vmem>> -> memref<128xi32, #tpu.memory_space<vmem>>
        %dma_start3A_128 = arith.constant 0 : i32
        %dma_start3A_129 = arith.constant 0 : i32
        %dma_start3A_130 = tpu.memref_slice %arg7[%dma_start3A_128, %dma_start3A_129] : memref<10240x64xf32, #tpu.memory_space<vmem_shared>> -> memref<10240x64xf32, #tpu.memory_space<vmem_shared>>
        tpu.enqueue_indirect_dma source(%arg14 : memref<128x64xf32, #tpu.memory_space<vmem>>) target(%dma_start3A_130 : memref<10240x64xf32, #tpu.memory_space<vmem_shared>>) offsets(%dma_start3A_127 : memref<128xi32, #tpu.memory_space<vmem>>) semaphore(%run_scoped3A_125 : memref<!tpu.dma_semaphore, #tpu.memory_space<semaphore_mem>>) {add = true}
        %dma_wait3A = arith.constant 0 : i32
        %dma_wait3A_131 = tpu.memref_slice %arg10[%run_scoped3A_119, %dma_wait3A] : memref<8x128xi32, #tpu.memory_space<vmem>> -> memref<1x128xi32, #tpu.memory_space<vmem>>
        %dma_wait3A_132 = tpu.memref_squeeze %dma_wait3A_131 : memref<1x128xi32, #tpu.memory_space<vmem>> -> memref<128xi32, #tpu.memory_space<vmem>>
        %dma_wait3A_133 = arith.constant 0 : i32
        %dma_wait3A_134 = arith.constant 0 : i32
        %dma_wait3A_135 = tpu.memref_slice %arg7[%dma_wait3A_133, %dma_wait3A_134] : memref<10240x64xf32, #tpu.memory_space<vmem_shared>> -> memref<10240x64xf32, #tpu.memory_space<vmem_shared>>
        tpu.wait_indirect_dma semaphore(%run_scoped3A_125 : memref<!tpu.dma_semaphore, #tpu.memory_space<semaphore_mem>>) src(%arg14 : memref<128x64xf32, #tpu.memory_space<vmem>>) dst(%dma_wait3A_135 : memref<10240x64xf32, #tpu.memory_space<vmem_shared>>)
        tpu.yield
      }) : () -> ()
      %run_scoped3A_120 = arith.constant 6 : i32
      "tpu.region"() ({
        %run_scoped3A_125 = tpu.sem_alloc : memref<!tpu.dma_semaphore, #tpu.memory_space<semaphore_mem>>
        %dma_start3A = arith.constant 0 : i32
        %dma_start3A_126 = tpu.memref_slice %arg9[%run_scoped3A_120, %dma_start3A] : memref<8x128xi32, #tpu.memory_space<vmem>> -> memref<1x128xi32, #tpu.memory_space<vmem>>
        %dma_start3A_127 = tpu.memref_squeeze %dma_start3A_126 : memref<1x128xi32, #tpu.memory_space<vmem>> -> memref<128xi32, #tpu.memory_space<vmem>>
        %dma_start3A_128 = arith.constant 0 : i32
        %dma_start3A_129 = arith.constant 0 : i32
        %dma_start3A_130 = tpu.memref_slice %arg6[%dma_start3A_128, %dma_start3A_129] : memref<10240x64xf32, #tpu.memory_space<vmem_shared>> -> memref<10240x64xf32, #tpu.memory_space<vmem_shared>>
        tpu.enqueue_indirect_dma source(%dma_start3A_130 : memref<10240x64xf32, #tpu.memory_space<vmem_shared>>) target(%arg14 : memref<128x64xf32, #tpu.memory_space<vmem>>) offsets(%dma_start3A_127 : memref<128xi32, #tpu.memory_space<vmem>>) semaphore(%run_scoped3A_125 : memref<!tpu.dma_semaphore, #tpu.memory_space<semaphore_mem>>)
        %dma_wait3A = arith.constant 0 : i32
        %dma_wait3A_131 = tpu.memref_slice %arg9[%run_scoped3A_120, %dma_wait3A] : memref<8x128xi32, #tpu.memory_space<vmem>> -> memref<1x128xi32, #tpu.memory_space<vmem>>
        %dma_wait3A_132 = tpu.memref_squeeze %dma_wait3A_131 : memref<1x128xi32, #tpu.memory_space<vmem>> -> memref<128xi32, #tpu.memory_space<vmem>>
        %dma_wait3A_133 = arith.constant 0 : i32
        %dma_wait3A_134 = arith.constant 0 : i32
        %dma_wait3A_135 = tpu.memref_slice %arg6[%dma_wait3A_133, %dma_wait3A_134] : memref<10240x64xf32, #tpu.memory_space<vmem_shared>> -> memref<10240x64xf32, #tpu.memory_space<vmem_shared>>
        tpu.wait_indirect_dma semaphore(%run_scoped3A_125 : memref<!tpu.dma_semaphore, #tpu.memory_space<semaphore_mem>>) src(%dma_wait3A_135 : memref<10240x64xf32, #tpu.memory_space<vmem_shared>>) dst(%arg14 : memref<128x64xf32, #tpu.memory_space<vmem>>)
        tpu.yield
      }) : () -> ()
      %run_scoped3A_121 = arith.constant 6 : i32
      "tpu.region"() ({
        %run_scoped3A_125 = tpu.sem_alloc : memref<!tpu.dma_semaphore, #tpu.memory_space<semaphore_mem>>
        %dma_start3A = arith.constant 0 : i32
        %dma_start3A_126 = tpu.memref_slice %arg10[%run_scoped3A_121, %dma_start3A] : memref<8x128xi32, #tpu.memory_space<vmem>> -> memref<1x128xi32, #tpu.memory_space<vmem>>
        %dma_start3A_127 = tpu.memref_squeeze %dma_start3A_126 : memref<1x128xi32, #tpu.memory_space<vmem>> -> memref<128xi32, #tpu.memory_space<vmem>>
        %dma_start3A_128 = arith.constant 0 : i32
        %dma_start3A_129 = arith.constant 0 : i32
        %dma_start3A_130 = tpu.memref_slice %arg7[%dma_start3A_128, %dma_start3A_129] : memref<10240x64xf32, #tpu.memory_space<vmem_shared>> -> memref<10240x64xf32, #tpu.memory_space<vmem_shared>>
        tpu.enqueue_indirect_dma source(%arg14 : memref<128x64xf32, #tpu.memory_space<vmem>>) target(%dma_start3A_130 : memref<10240x64xf32, #tpu.memory_space<vmem_shared>>) offsets(%dma_start3A_127 : memref<128xi32, #tpu.memory_space<vmem>>) semaphore(%run_scoped3A_125 : memref<!tpu.dma_semaphore, #tpu.memory_space<semaphore_mem>>) {add = true}
        %dma_wait3A = arith.constant 0 : i32
        %dma_wait3A_131 = tpu.memref_slice %arg10[%run_scoped3A_121, %dma_wait3A] : memref<8x128xi32, #tpu.memory_space<vmem>> -> memref<1x128xi32, #tpu.memory_space<vmem>>
        %dma_wait3A_132 = tpu.memref_squeeze %dma_wait3A_131 : memref<1x128xi32, #tpu.memory_space<vmem>> -> memref<128xi32, #tpu.memory_space<vmem>>
        %dma_wait3A_133 = arith.constant 0 : i32
        %dma_wait3A_134 = arith.constant 0 : i32
        %dma_wait3A_135 = tpu.memref_slice %arg7[%dma_wait3A_133, %dma_wait3A_134] : memref<10240x64xf32, #tpu.memory_space<vmem_shared>> -> memref<10240x64xf32, #tpu.memory_space<vmem_shared>>
        tpu.wait_indirect_dma semaphore(%run_scoped3A_125 : memref<!tpu.dma_semaphore, #tpu.memory_space<semaphore_mem>>) src(%arg14 : memref<128x64xf32, #tpu.memory_space<vmem>>) dst(%dma_wait3A_135 : memref<10240x64xf32, #tpu.memory_space<vmem_shared>>)
        tpu.yield
      }) : () -> ()
      %run_scoped3A_122 = arith.constant 7 : i32
      "tpu.region"() ({
        %run_scoped3A_125 = tpu.sem_alloc : memref<!tpu.dma_semaphore, #tpu.memory_space<semaphore_mem>>
        %dma_start3A = arith.constant 0 : i32
        %dma_start3A_126 = tpu.memref_slice %arg9[%run_scoped3A_122, %dma_start3A] : memref<8x128xi32, #tpu.memory_space<vmem>> -> memref<1x128xi32, #tpu.memory_space<vmem>>
        %dma_start3A_127 = tpu.memref_squeeze %dma_start3A_126 : memref<1x128xi32, #tpu.memory_space<vmem>> -> memref<128xi32, #tpu.memory_space<vmem>>
        %dma_start3A_128 = arith.constant 0 : i32
        %dma_start3A_129 = arith.constant 0 : i32
        %dma_start3A_130 = tpu.memref_slice %arg6[%dma_start3A_128, %dma_start3A_129] : memref<10240x64xf32, #tpu.memory_space<vmem_shared>> -> memref<10240x64xf32, #tpu.memory_space<vmem_shared>>
        tpu.enqueue_indirect_dma source(%dma_start3A_130 : memref<10240x64xf32, #tpu.memory_space<vmem_shared>>) target(%arg14 : memref<128x64xf32, #tpu.memory_space<vmem>>) offsets(%dma_start3A_127 : memref<128xi32, #tpu.memory_space<vmem>>) semaphore(%run_scoped3A_125 : memref<!tpu.dma_semaphore, #tpu.memory_space<semaphore_mem>>)
        %dma_wait3A = arith.constant 0 : i32
        %dma_wait3A_131 = tpu.memref_slice %arg9[%run_scoped3A_122, %dma_wait3A] : memref<8x128xi32, #tpu.memory_space<vmem>> -> memref<1x128xi32, #tpu.memory_space<vmem>>
        %dma_wait3A_132 = tpu.memref_squeeze %dma_wait3A_131 : memref<1x128xi32, #tpu.memory_space<vmem>> -> memref<128xi32, #tpu.memory_space<vmem>>
        %dma_wait3A_133 = arith.constant 0 : i32
        %dma_wait3A_134 = arith.constant 0 : i32
        %dma_wait3A_135 = tpu.memref_slice %arg6[%dma_wait3A_133, %dma_wait3A_134] : memref<10240x64xf32, #tpu.memory_space<vmem_shared>> -> memref<10240x64xf32, #tpu.memory_space<vmem_shared>>
        tpu.wait_indirect_dma semaphore(%run_scoped3A_125 : memref<!tpu.dma_semaphore, #tpu.memory_space<semaphore_mem>>) src(%dma_wait3A_135 : memref<10240x64xf32, #tpu.memory_space<vmem_shared>>) dst(%arg14 : memref<128x64xf32, #tpu.memory_space<vmem>>)
        tpu.yield
      }) : () -> ()
      %run_scoped3A_123 = arith.constant 7 : i32
      "tpu.region"() ({
        %run_scoped3A_125 = tpu.sem_alloc : memref<!tpu.dma_semaphore, #tpu.memory_space<semaphore_mem>>
        %dma_start3A = arith.constant 0 : i32
        %dma_start3A_126 = tpu.memref_slice %arg10[%run_scoped3A_123, %dma_start3A] : memref<8x128xi32, #tpu.memory_space<vmem>> -> memref<1x128xi32, #tpu.memory_space<vmem>>
        %dma_start3A_127 = tpu.memref_squeeze %dma_start3A_126 : memref<1x128xi32, #tpu.memory_space<vmem>> -> memref<128xi32, #tpu.memory_space<vmem>>
        %dma_start3A_128 = arith.constant 0 : i32
        %dma_start3A_129 = arith.constant 0 : i32
        %dma_start3A_130 = tpu.memref_slice %arg7[%dma_start3A_128, %dma_start3A_129] : memref<10240x64xf32, #tpu.memory_space<vmem_shared>> -> memref<10240x64xf32, #tpu.memory_space<vmem_shared>>
        tpu.enqueue_indirect_dma source(%arg14 : memref<128x64xf32, #tpu.memory_space<vmem>>) target(%dma_start3A_130 : memref<10240x64xf32, #tpu.memory_space<vmem_shared>>) offsets(%dma_start3A_127 : memref<128xi32, #tpu.memory_space<vmem>>) semaphore(%run_scoped3A_125 : memref<!tpu.dma_semaphore, #tpu.memory_space<semaphore_mem>>) {add = true}
        %dma_wait3A = arith.constant 0 : i32
        %dma_wait3A_131 = tpu.memref_slice %arg10[%run_scoped3A_123, %dma_wait3A] : memref<8x128xi32, #tpu.memory_space<vmem>> -> memref<1x128xi32, #tpu.memory_space<vmem>>
        %dma_wait3A_132 = tpu.memref_squeeze %dma_wait3A_131 : memref<1x128xi32, #tpu.memory_space<vmem>> -> memref<128xi32, #tpu.memory_space<vmem>>
        %dma_wait3A_133 = arith.constant 0 : i32
        %dma_wait3A_134 = arith.constant 0 : i32
        %dma_wait3A_135 = tpu.memref_slice %arg7[%dma_wait3A_133, %dma_wait3A_134] : memref<10240x64xf32, #tpu.memory_space<vmem_shared>> -> memref<10240x64xf32, #tpu.memory_space<vmem_shared>>
        tpu.wait_indirect_dma semaphore(%run_scoped3A_125 : memref<!tpu.dma_semaphore, #tpu.memory_space<semaphore_mem>>) src(%arg14 : memref<128x64xf32, #tpu.memory_space<vmem>>) dst(%dma_wait3A_135 : memref<10240x64xf32, #tpu.memory_space<vmem_shared>>)
        tpu.yield
      }) : () -> ()
      %scan3A_124 = arith.constant 0 : i32
      scf.yield %scan3A_124 : i32
    }
    %scan3A_88 = arith.constant 20 : i32
    %barrier3A_89 = arith.constant 0 : index
    tpu.barrier barrier_id(%barrier3A_89)
    %scan3A_90 = arith.constant 0 : i32
    %scan3A_91 = arith.constant 0 : i32
    %scan3A_92 = arith.constant 5 : i32
    %scan3A_93 = arith.addi %scan3A_91, %scan3A_92 : i32
    %scan3A_94 = arith.constant 1 : i32
    %scan3A_95 = scf.for %scan3A_97 = %scan3A_91 to %scan3A_93 step %scan3A_94 iter_args(%scan3A_98 = %scan3A_90) -> (i32)  : i32 {
      %mul3A_99 = arith.constant 128 : i32
      %mul3A_100 = arith.muli %mul3A_99, %scan3A_97 : i32
      %add3A_101 = arith.addi %mul3A_0, %mul3A_100 : i32
      "tpu.region"() ({
        %run_scoped3A = tpu.sem_alloc : memref<!tpu.dma_semaphore, #tpu.memory_space<semaphore_mem>>
        %dma_start3A = arith.constant 0 : i32
        %dma_start3A_114 = tpu.memref_slice %arg7[%add3A_101, %dma_start3A] : memref<10240x64xf32, #tpu.memory_space<vmem_shared>> -> memref<128x64xf32, #tpu.memory_space<vmem_shared>>
        %dma_start3A_115 = arith.constant 0 : i32
        %dma_start3A_116 = tpu.memref_slice %arg7[%add3A_101, %dma_start3A_115] : memref<10240x64xf32, #tpu.memory_space<vmem_shared>> -> memref<128x64xf32, #tpu.memory_space<vmem_shared>>
        tpu.enqueue_dma source(%dma_start3A_116 : memref<128x64xf32, #tpu.memory_space<vmem_shared>>) target(%arg13 : memref<128x64xf32, #tpu.memory_space<vmem>>) target_semaphore(%run_scoped3A : memref<!tpu.dma_semaphore, #tpu.memory_space<semaphore_mem>>)
        %dma_wait3A = arith.constant 0 : i32
        %dma_wait3A_117 = tpu.memref_slice %arg7[%add3A_101, %dma_wait3A] : memref<10240x64xf32, #tpu.memory_space<vmem_shared>> -> memref<128x64xf32, #tpu.memory_space<vmem_shared>>
        %dma_wait3A_118 = arith.constant 0 : i32
        %dma_wait3A_119 = tpu.memref_slice %arg7[%add3A_101, %dma_wait3A_118] : memref<10240x64xf32, #tpu.memory_space<vmem_shared>> -> memref<128x64xf32, #tpu.memory_space<vmem_shared>>
        tpu.wait_dma2 semaphore(%run_scoped3A : memref<!tpu.dma_semaphore, #tpu.memory_space<semaphore_mem>>) src(%dma_wait3A_119 : memref<128x64xf32, #tpu.memory_space<vmem_shared>>) dst(%arg13 : memref<128x64xf32, #tpu.memory_space<vmem>>)
        tpu.yield
      }) : () -> ()
      %scan3A_102 = arith.constant 0 : i32
      %scan3A_103 = arith.constant 0 : i32
      %scan3A_104 = arith.constant 128 : i32
      %scan3A_105 = arith.addi %scan3A_103, %scan3A_104 : i32
      %scan3A_106 = arith.constant 1 : i32
      %scan3A_107 = scf.for %scan3A_114 = %scan3A_103 to %scan3A_105 step %scan3A_106 iter_args(%scan3A_115 = %scan3A_102) -> (i32)  : i32 {
        %mul3A_116 = arith.constant 128 : i32
        %mul3A_117 = arith.muli %mul3A_116, %scan3A_97 : i32
        %add3A_118 = arith.addi %mul3A_117, %scan3A_114 : i32
        %get3A = arith.index_cast %add3A_118 : i32 to index
        %get3A_119 = tpu.vector_load %arg12[%get3A] {strides = array<i32>} : memref<656xf32, #tpu.memory_space<vmem>>, vector<16xf32>,
        %get3A_120 = vector.shape_cast %get3A_119 : vector<16xf32> to vector<16xf32>
        %slice3A = vector.extract_strided_slice %get3A_120 {offsets = [0], sizes = [1], strides = [1]} : vector<16xf32> to vector<1xf32>
        %squeeze3A = vector.extract %slice3A[0] : f32 from vector<1xf32>
        %get3A_121 = arith.index_cast %scan3A_114 : i32 to index
        %get3A_122 = arith.constant 0 : index
        %get3A_123 = tpu.vector_load %arg13[%get3A_121, %get3A_122] {strides = array<i32>} : memref<128x64xf32, #tpu.memory_space<vmem>>, vector<1x16xf32>,
        %get3A_124 = vector.shape_cast %get3A_123 : vector<1x16xf32> to vector<16xf32>
        %mul3A_125 = vector.broadcast %squeeze3A : f32 to vector<16xf32>
        %mul3A_126 = arith.mulf %get3A_124, %mul3A_125 : vector<16xf32>
        %swap3A_127 = arith.index_cast %scan3A_114 : i32 to index
        %swap3A_128 = arith.constant 0 : index
        %swap3A_129 = tpu.vector_load %arg13[%swap3A_127, %swap3A_128] {strides = array<i32>} : memref<128x64xf32, #tpu.memory_space<vmem>>, vector<1x16xf32>,
        %swap3A_130 = vector.shape_cast %swap3A_129 : vector<1x16xf32> to vector<16xf32>
        %swap3A_131 = vector.shape_cast %mul3A_126 : vector<16xf32> to vector<1x16xf32>
        tpu.vector_store %arg13[%swap3A_127, %swap3A_128], %swap3A_131 {strides = array<i32>} : memref<128x64xf32, #tpu.memory_space<vmem>>, vector<1x16xf32>,
        %get3A_132 = arith.index_cast %scan3A_114 : i32 to index
        %get3A_133 = arith.constant 16 : index
        %get3A_134 = tpu.vector_load %arg13[%get3A_132, %get3A_133] {strides = array<i32>} : memref<128x64xf32, #tpu.memory_space<vmem>>, vector<1x16xf32>,
        %get3A_135 = vector.shape_cast %get3A_134 : vector<1x16xf32> to vector<16xf32>
        %mul3A_136 = vector.broadcast %squeeze3A : f32 to vector<16xf32>
        %mul3A_137 = arith.mulf %get3A_135, %mul3A_136 : vector<16xf32>
        %swap3A_138 = arith.index_cast %scan3A_114 : i32 to index
        %swap3A_139 = arith.constant 16 : index
        %swap3A_140 = tpu.vector_load %arg13[%swap3A_138, %swap3A_139] {strides = array<i32>} : memref<128x64xf32, #tpu.memory_space<vmem>>, vector<1x16xf32>,
        %swap3A_141 = vector.shape_cast %swap3A_140 : vector<1x16xf32> to vector<16xf32>
        %swap3A_142 = vector.shape_cast %mul3A_137 : vector<16xf32> to vector<1x16xf32>
        tpu.vector_store %arg13[%swap3A_138, %swap3A_139], %swap3A_142 {strides = array<i32>} : memref<128x64xf32, #tpu.memory_space<vmem>>, vector<1x16xf32>,
        %get3A_143 = arith.index_cast %scan3A_114 : i32 to index
        %get3A_144 = arith.constant 32 : index
        %get3A_145 = tpu.vector_load %arg13[%get3A_143, %get3A_144] {strides = array<i32>} : memref<128x64xf32, #tpu.memory_space<vmem>>, vector<1x16xf32>,
        %get3A_146 = vector.shape_cast %get3A_145 : vector<1x16xf32> to vector<16xf32>
        %mul3A_147 = vector.broadcast %squeeze3A : f32 to vector<16xf32>
        %mul3A_148 = arith.mulf %get3A_146, %mul3A_147 : vector<16xf32>
        %swap3A_149 = arith.index_cast %scan3A_114 : i32 to index
        %swap3A_150 = arith.constant 32 : index
        %swap3A_151 = tpu.vector_load %arg13[%swap3A_149, %swap3A_150] {strides = array<i32>} : memref<128x64xf32, #tpu.memory_space<vmem>>, vector<1x16xf32>,
        %swap3A_152 = vector.shape_cast %swap3A_151 : vector<1x16xf32> to vector<16xf32>
        %swap3A_153 = vector.shape_cast %mul3A_148 : vector<16xf32> to vector<1x16xf32>
        tpu.vector_store %arg13[%swap3A_149, %swap3A_150], %swap3A_153 {strides = array<i32>} : memref<128x64xf32, #tpu.memory_space<vmem>>, vector<1x16xf32>,
        %get3A_154 = arith.index_cast %scan3A_114 : i32 to index
        %get3A_155 = arith.constant 48 : index
        %get3A_156 = tpu.vector_load %arg13[%get3A_154, %get3A_155] {strides = array<i32>} : memref<128x64xf32, #tpu.memory_space<vmem>>, vector<1x16xf32>,
        %get3A_157 = vector.shape_cast %get3A_156 : vector<1x16xf32> to vector<16xf32>
        %mul3A_158 = vector.broadcast %squeeze3A : f32 to vector<16xf32>
        %mul3A_159 = arith.mulf %get3A_157, %mul3A_158 : vector<16xf32>
        %swap3A_160 = arith.index_cast %scan3A_114 : i32 to index
        %swap3A_161 = arith.constant 48 : index
        %swap3A_162 = tpu.vector_load %arg13[%swap3A_160, %swap3A_161] {strides = array<i32>} : memref<128x64xf32, #tpu.memory_space<vmem>>, vector<1x16xf32>,
        %swap3A_163 = vector.shape_cast %swap3A_162 : vector<1x16xf32> to vector<16xf32>
        %swap3A_164 = vector.shape_cast %mul3A_159 : vector<16xf32> to vector<1x16xf32>
        tpu.vector_store %arg13[%swap3A_160, %swap3A_161], %swap3A_164 {strides = array<i32>} : memref<128x64xf32, #tpu.memory_space<vmem>>, vector<1x16xf32>,
        %scan3A_165 = arith.constant 0 : i32
        scf.yield %scan3A_165 : i32
      }
      %scan3A_108 = arith.constant 128 : i32
      %add3A_109 = arith.addi %mul3A_2, %mul3A_0 : i32
      %mul3A_110 = arith.constant 128 : i32
      %mul3A_111 = arith.muli %mul3A_110, %scan3A_97 : i32
      %add3A_112 = arith.addi %add3A_109, %mul3A_111 : i32
      "tpu.region"() ({
        %run_scoped3A = tpu.sem_alloc : memref<!tpu.dma_semaphore, #tpu.memory_space<semaphore_mem>>
        %dma_start3A = arith.constant 0 : i32
        %dma_start3A_114 = tpu.memref_slice %arg5[%add3A_112, %dma_start3A] : memref<20480x64xf32, #tpu.memory_space<hbm>> -> memref<128x64xf32, #tpu.memory_space<hbm>>
        %dma_start3A_115 = arith.constant 0 : i32
        %dma_start3A_116 = tpu.memref_slice %arg5[%add3A_112, %dma_start3A_115] : memref<20480x64xf32, #tpu.memory_space<hbm>> -> memref<128x64xf32, #tpu.memory_space<hbm>>
        tpu.enqueue_dma source(%arg13 : memref<128x64xf32, #tpu.memory_space<vmem>>) target(%dma_start3A_116 : memref<128x64xf32, #tpu.memory_space<hbm>>) target_semaphore(%run_scoped3A : memref<!tpu.dma_semaphore, #tpu.memory_space<semaphore_mem>>)
        %dma_wait3A = arith.constant 0 : i32
        %dma_wait3A_117 = tpu.memref_slice %arg5[%add3A_112, %dma_wait3A] : memref<20480x64xf32, #tpu.memory_space<hbm>> -> memref<128x64xf32, #tpu.memory_space<hbm>>
        %dma_wait3A_118 = arith.constant 0 : i32
        %dma_wait3A_119 = tpu.memref_slice %arg5[%add3A_112, %dma_wait3A_118] : memref<20480x64xf32, #tpu.memory_space<hbm>> -> memref<128x64xf32, #tpu.memory_space<hbm>>
        tpu.wait_dma2 semaphore(%run_scoped3A : memref<!tpu.dma_semaphore, #tpu.memory_space<semaphore_mem>>) src(%arg13 : memref<128x64xf32, #tpu.memory_space<vmem>>) dst(%dma_wait3A_119 : memref<128x64xf32, #tpu.memory_space<hbm>>)
        tpu.yield
      }) : () -> ()
      %scan3A_113 = arith.constant 0 : i32
      scf.yield %scan3A_113 : i32
    }
    %scan3A_96 = arith.constant 5 : i32
    return
  }
}

module attributes {stable_mosaic.version = 14 : i64} {
  func.func @body(%arg0: i32, %arg1: memref<1280x64xf32, #tpu.memory_space<vmem>>, %arg2: memref<1280x64xf32, #tpu.memory_space<vmem>>, %arg3: memref<64x128xf32, #tpu.memory_space<vmem>>, %arg4: memref<64x128xf32, #tpu.memory_space<vmem>>, %arg5: memref<1280x128xf32, #tpu.memory_space<vmem>>) attributes {dimension_semantics = [#tpu.dimension_semantics<arbitrary>], iteration_bounds = array<i64: 8>, scalar_prefetch = 0 : i64, scratch_operands = 0 : i64, tpu.core_type = #tpu.core_type<tc>, window_params = [{transform_indices = @transform_0, window_bounds = array<i64: 1280, 64>}, {transform_indices = @transform_1, window_bounds = array<i64: 1280, 64>}, {transform_indices = @transform_2, window_bounds = array<i64: 64, 128>}, {transform_indices = @transform_3, window_bounds = array<i64: 64, 128>}, {transform_indices = @transform_4, window_bounds = array<i64: 1280, 128>}]} {
    %get3A = arith.constant 0 : index
    %get3A_0 = arith.constant 0 : index
    %get3A_1 = vector.load %arg1[%get3A, %get3A_0] : memref<1280x64xf32, #tpu.memory_space<vmem>>, vector<1280x64xf32>
    %get3A_2 = arith.constant 0 : index
    %get3A_3 = arith.constant 0 : index
    %get3A_4 = vector.load %arg3[%get3A_2, %get3A_3] : memref<64x128xf32, #tpu.memory_space<vmem>>, vector<64x128xf32>
    %dot_general3A = arith.constant dense<0.000000e+00> : vector<1280x128xf32>
    %dot_general3A_5 = tpu.matmul %get3A_1, %get3A_4, %dot_general3A {dimension_numbers = #tpu.dot_dimension_numbers<[1], [0], [0], [1], [0, 0, 1, 1], [], []>, transpose_lhs_hint = false} : vector<1280x64xf32>, vector<64x128xf32>, vector<1280x128xf32> -> vector<1280x128xf32>
    %get3A_6 = arith.constant 0 : index
    %get3A_7 = arith.constant 0 : index
    %get3A_8 = vector.load %arg2[%get3A_6, %get3A_7] : memref<1280x64xf32, #tpu.memory_space<vmem>>, vector<1280x64xf32>
    %get3A_9 = arith.constant 0 : index
    %get3A_10 = arith.constant 0 : index
    %get3A_11 = vector.load %arg4[%get3A_9, %get3A_10] : memref<64x128xf32, #tpu.memory_space<vmem>>, vector<64x128xf32>
    %dot_general3A_12 = arith.constant dense<0.000000e+00> : vector<1280x128xf32>
    %dot_general3A_13 = tpu.matmul %get3A_8, %get3A_11, %dot_general3A_12 {dimension_numbers = #tpu.dot_dimension_numbers<[1], [0], [0], [1], [0, 0, 1, 1], [], []>, transpose_lhs_hint = false} : vector<1280x64xf32>, vector<64x128xf32>, vector<1280x128xf32> -> vector<1280x128xf32>
    %add3A = arith.addf %dot_general3A_5, %dot_general3A_13 : vector<1280x128xf32>
    %swap3A = arith.constant 0 : index
    %swap3A_14 = arith.constant 0 : index
    %swap3A_15 = vector.load %arg5[%swap3A, %swap3A_14] : memref<1280x128xf32, #tpu.memory_space<vmem>>, vector<1280x128xf32>
    tpu.vector_store %arg5[%swap3A, %swap3A_14], %add3A {strides = array<i32>} : memref<1280x128xf32, #tpu.memory_space<vmem>>, vector<1280x128xf32>,
    return
  }
  func.func @transform_0(%arg0: i32) -> (i32, i32) {
    %c0_i32 = arith.constant 0 : i32
    %c0_i32_0 = arith.constant 0 : i32
    return %arg0, %c0_i32 : i32, i32
  }
  func.func @transform_1(%arg0: i32) -> (i32, i32) {
    %add3A = arith.constant 8 : i32
    %add3A_0 = arith.addi %add3A, %arg0 : i32
    %c0_i32 = arith.constant 0 : i32
    %c0_i32_1 = arith.constant 0 : i32
    return %add3A_0, %c0_i32 : i32, i32
  }
  func.func @transform_2(%arg0: i32) -> (i32, i32) {
    %c0_i32 = arith.constant 0 : i32
    %c0_i32_0 = arith.constant 0 : i32
    %c0_i32_1 = arith.constant 0 : i32
    return %c0_i32, %c0_i32_0 : i32, i32
  }
  func.func @transform_3(%arg0: i32) -> (i32, i32) {
    %c1_i32 = arith.constant 1 : i32
    %c0_i32 = arith.constant 0 : i32
    %c0_i32_0 = arith.constant 0 : i32
    return %c1_i32, %c0_i32 : i32, i32
  }
  func.func @transform_4(%arg0: i32) -> (i32, i32) {
    %c0_i32 = arith.constant 0 : i32
    %c0_i32_0 = arith.constant 0 : i32
    return %arg0, %c0_i32 : i32, i32
  }
}

</mosaic_0001>

<sc_bundles>
// kernel: kernel.4.cloned.1.call-start
scs
__scs_entry_jumppad:
0x0: {  	(pc) =	sbr.rel $0x88, $3  }
0x1: {  	(tag) =	ssettag $0x0;
	lr =	simm.s32 $0x1  }
0x2: {  	[smem:$0x3F9E] =	sst lr;
	_ =	strace $0xD0000000  }
0x3: {  	_ = 	snop  }
0x4: {  	_ = 	snop  }
0x5: {  	_ = 	snop  }
0x6: {  	_ = 	snop  }
0x7: {  	_ = 	snop  }
__scs_overlays_trampoline_lowered:
0x8: {  	[smem:$0x3FAD] =	sst s0  }
0x9: {  	[smem:$0x3FAE] =	sst s1  }
0xa: {  	[smem:$0x3FAF] =	sst s2  }
0xb: {  	[smem:$0x3FB0] =	sst s3  }
0xc: {  	[smem:$0x3FB1] =	sst s4  }
0xd: {  	[smem:$0x3FB2] =	sst s5  }
0xe: {  	[smem:$0x3FB3] =	sst s6  }
0xf: {  	[smem:$0x3FB4] =	sst s7  }
0x10: {  	[smem:$0x3FB5] =	sst s8  }
0x11: {  	[smem:$0x3FB6] =	sst s9;
	s0 =	simm.s32 @!p0 $0x0  }
0x12: {  	s1 =	sld [smem:$0x3F9C];
	s0 =	simm.s32 @p0 $0x1  }
0x13: {  	[smem:$0x3FB7] =	sst s0;
	s0 =	simm.s32 @!p1 $0x0  }
0x14: {  	s2 =	sld [smem:$0x3F9B];
	s0 =	simm.s32 @p1 $0x1  }
0x15: {  	[smem:$0x3FB8] =	sst s0;
	s0 =	simm.s32 @!p2 $0x0  }
0x16: {  	s3 =	sld [smem:$0x3FDB];
	s0 =	simm.s32 @p2 $0x1  }
0x17: {  	s4 =	simm.s32 $0x1BF5;
	[smem:$0x3FBA] =	sst s0  }
0x18: {  	s0 =	sld [smem:$0x3F9D];
	_ =	swait.ge [sflag:s4], $0x0  }
0x19: {  	s7 =	sld [smem:$0x3F9E]  }
0x1a: {  	s8 =	sadd.s32 $0xFFFFE003, lr  }
0x1b: {  	s9 =	sadd.s32 $0xFFFFFEF7, lr;
	s5 =	simm.s32 $0xFFFFFFFF;
	p2 =	slt.u32 s8, $0xFFFFF086  }
0x1c: {  	p1 =	slt.u32 s9, $0xF7A;
	s5 =	simm.s32 @!p2 $0x0  }
0x1d: {  	s5 =	simm.s32 @p1 $0x1;
	p0 =	seq.s32 s7, s2  }
0x1e: {  	s7 =	smul.u32 @!p0 $0xF7A, s2;
	p2 =	seq.s32 @!p0 s5, $0x0  }
0x1f: {  	s9 =	smul.u32 $0xF7A, s1;
	s8 =	simm.s32 @!p0 $0x1BF5;
	p2 =	por !p2, p0  }
0x20: {  	[sflag:s8] =	ssyncset.s32 @!p0 $0xFFFFF086;
	s6 =	sadd.s32 @!p0 s3, s7;
	s7 =	simm.s32 @!p0 $0x108  }
0x21: {  	s3 =	sadd.s32 s3, s9;
	s6 =	sadd.s32 @!p0 $0x88, s6;
	s7 =	simm.s32 @p2 $0x1082  }
0x22: {  	[simem:s7], [sflag:s8] =	dma.local @!p0 [hbm:s6], $0xF7A  }
0x23: {  	s9 =	sor.u32 $0xD0000000, s2;
	s6 =	simm.s32 $0x108;
	_ =	swait.ge @!p0 [sflag:s8], $0x0  }
0x24: {  	s3 =	sadd.s32 $0x88, s3;
	s6 =	simm.s32 @!p1 $0x1082;
	[sflag:s4] =	ssyncset.s32 $0xFFFFF086  }
0x25: {  	[simem:s6], [sflag:s4] =	dma.local [hbm:s3], $0xF7A  }
0x26: {  	[smem:$0x3F9E] =	sst s1;
	(tag) =	ssettag s2;
	_ =	strace s9  }
0x27: {  	s1 =	sld [smem:$0x3FAE]  }
0x28: {  	s2 =	sld [smem:$0x3FAF]  }
0x29: {  	s4 =	sld [smem:$0x3FB1]  }
0x2a: {  	p0 =	seq.s32 s5, $0x0;
	s5 =	sld [smem:$0x3FB2]  }
0x2b: {  	s6 =	sld [smem:$0x3FB3]  }
0x2c: {  	s7 =	sld [smem:$0x3FB4]  }
0x2d: {  	s3 =	simm.s32 $0x108;
	s8 =	sld [smem:$0x3FB5]  }
0x2e: {  	s3 =	simm.s32 @!p0 $0x1082;
	s9 =	sld [smem:$0x3FB6]  }
0x2f: {  	lr =	sadd.s32 s0, s3;
	s0 =	sld [smem:$0x3FAD]  }
0x30: {  	s3 =	sld [smem:$0x3FB0]  }
0x31: {  	[smem:$0x3FB9] =	sst s10  }
0x32: {  	s10 =	sld [smem:$0x3FB7];
	_ =	sdelay $0x3  }
0x33: {  	p0 =	seq.s32 s10, $0x1;
	s10 =	sld [smem:$0x3FB9];
	_ =	sdelay $0x3  }
0x34: {  	[smem:$0x3FB9] =	sst s10  }
0x35: {  	s10 =	sld [smem:$0x3FB8];
	_ =	sdelay $0x3  }
0x36: {  	p1 =	seq.s32 s10, $0x1;
	s10 =	sld [smem:$0x3FB9];
	_ =	sdelay $0x3  }
0x37: {  	[smem:$0x3FB9] =	sst s10  }
0x38: {  	s10 =	sld [smem:$0x3FBA]  }
0x39: {  	_ = 	snop;
	(pc) =	sbr.ind lr, $3  }
0x3a: {  	_ = 	snop  }
0x3b: {  	_ = 	snop  }
0x3c: {  	p2 =	seq.s32 s10, $0x1;
	s10 =	sld [smem:$0x3FB9]  }
0x3d: {  	_ =	shalt  }
0x3e: {  	_ =	shalt  }
0x3f: {  	_ =	shalt  }
0x40: {  	_ =	shalt  }
0x41: {  	_ =	shalt  }
0x42: {  	_ =	shalt  }
0x43: {  	_ =	shalt  }
0x44: {  	_ =	shalt  }
0x45: {  	_ =	shalt  }
0x46: {  	_ =	shalt  }
0x47: {  	_ =	shalt  }
0x48: {  	_ =	shalt  }
0x49: {  	_ =	shalt  }
0x4a: {  	_ =	shalt  }
0x4b: {  	_ =	shalt  }
0x4c: {  	_ =	shalt  }
0x4d: {  	_ =	shalt  }
0x4e: {  	_ =	shalt  }
0x4f: {  	_ =	shalt  }
0x50: {  	_ =	shalt  }
0x51: {  	_ =	shalt  }
0x52: {  	_ =	shalt  }
0x53: {  	_ =	shalt  }
0x54: {  	_ =	shalt  }
0x55: {  	_ =	shalt  }
0x56: {  	_ =	shalt  }
0x57: {  	_ =	shalt  }
0x58: {  	_ =	shalt  }
0x59: {  	_ =	shalt  }
0x5a: {  	_ =	shalt  }
0x5b: {  	_ =	shalt  }
0x5c: {  	_ =	shalt  }
0x5d: {  	_ =	shalt  }
0x5e: {  	_ =	shalt  }
0x5f: {  	_ =	shalt  }
0x60: {  	_ =	shalt  }
0x61: {  	_ =	shalt  }
0x62: {  	_ =	shalt  }
0x63: {  	_ =	shalt  }
0x64: {  	_ =	shalt  }
0x65: {  	_ =	shalt  }
0x66: {  	_ =	shalt  }
0x67: {  	_ =	shalt  }
0x68: {  	_ =	shalt  }
0x69: {  	_ =	shalt  }
0x6a: {  	_ =	shalt  }
0x6b: {  	_ =	shalt  }
0x6c: {  	_ =	shalt  }
0x6d: {  	_ =	shalt  }
0x6e: {  	_ =	shalt  }
0x6f: {  	_ =	shalt  }
0x70: {  	_ =	shalt  }
0x71: {  	_ =	shalt  }
0x72: {  	_ =	shalt  }
0x73: {  	_ =	shalt  }
0x74: {  	_ =	shalt  }
0x75: {  	_ =	shalt  }
0x76: {  	_ =	shalt  }
0x77: {  	_ =	shalt  }
0x78: {  	_ =	shalt  }
0x79: {  	_ =	shalt  }
0x7a: {  	_ =	shalt  }
0x7b: {  	_ =	shalt  }
0x7c: {  	_ =	shalt  }
0x7d: {  	_ =	shalt  }
0x7e: {  	_ =	shalt  }
0x7f: {  	_ =	shalt  }
0x80: {  	_ =	shalt  }
0x81: {  	_ =	shalt  }
0x82: {  	_ =	shalt  }
0x83: {  	_ =	shalt  }
0x84: {  	_ =	shalt  }
0x85: {  	_ =	shalt  }
0x86: {  	_ =	shalt  }
0x87: {  	_ =	shalt  }
.Lfunc_end0:
.L_simem_size_0:
called_computation_lowered:
.L_overlay_start_0:
0x88: {  	s2 =	sld [smem:$0x3FD9]  }
0x89: {  	s3 =	sld [smem:$0x3FFE];
	_ =	sdelay $0x1  }
0x8a: {  	s1 =	srdreg.scid  }
0x8b: {  	s0 =	sand.u32 $0x1, s1  }
0x8c: {  	s17 =	sshll.u32 s0, $0xA;
	s2 =	sadd.s32 s3, s2  }
0x8d: {  	s2 =	sadd.s32 s2, s17  }
0x8e: {  	[smem:$0x3FC5] =	sst s2  }
0x8f: {  	_ = 	snop  }
0x90: {  	s2 =	sld [smem:$0x3FD0];
	(tm) =	ssettm $0x1  }
0x91: {  	s18 =	sld [smem:$0x3FFB];
	_ =	sdelay $0x3  }
0x92: {  	_ =	strace s18  }
0x93: {  	s3 =	sld [smem:$0x3FFC];
	_ =	sdelay $0x3  }
0x94: {  	_ =	strace s3  }
0x95: {  	s3 =	sld [smem:$0x3FFD];
	_ =	sdelay $0x3  }
0x96: {  	_ =	strace s3  }
0x97: {  	_ =	strace $0x8FFFFFFF  }
0x98: {  	s19 =	sld [smem:$0x3FDB];
	_ =	sdelay $0x1  }
0x99: {  	s4 =	simm.s32 $_scs_section_size  }
0x9a: {  	s5 =	simm.s32 $_size__tile_overlayer_lowered;
	s6 =	simm.s32 $_tile_overlayer_lowered  }
0x9b: {  	s22 =	simm.s32 $0x1BFF;
	s21 =	sshll.u32 s6, $0x1;
	s3 =	sadd.s32 s4, s19  }
0x9c: {  	s7 =	simm.s32 $0x0;
	s20 =	sshll.u32 s5, $0x1;
	s5 =	sadd.s32 s21, s3  }
0x9d: {  	[timem:s7], [sflag:s22] =	dma.local [hbm:s5], s20  }
0x9e: {  	_ =	swait.ge [sflag:s22], s20  }
0x9f: {  	s4 =	ssub.s32 $0x0, s20;
	[sflag:s22] =	ssyncset.done $0x0  }
0xa0: {  	[sflag:s22] =	ssyncadd.s32 s4;
	_ =	sdelay $0x1  }
0xa1: {  	s23 =	simm.s32 $0x1B8B  }
0xa2: {  	_ =	swait.ge [sflag:s23], $0x1  }
0xa3: {  	[sflag:s23] =	ssyncset.done $0x0  }
0xa4: {  	s25 =	simm.s32 $0x1B8E;
	s24 =	sld [smem:$0x3FFE];
	[sflag:s23] =	ssyncadd.s32 $0xFFFFFFFF  }
0xa5: {  	s26 =	simm.s32 $execute0_lowered;
	[smem:$0x3FD2] =	sst s25  }
0xa6: {  	s5 =	sshll.u32 s26, $0x1;
	_ =	strace $0x80000046;
	[dreg:$0x1] =	wrdreg $0xFFFFFFFF  }
0xa7: {  	s28 =	simm.s32 $_size_execute0_lowered;
	s3 =	sadd.s32 s3, s5;
	[dreg:$0x0] =	wrdreg $0x0  }
0xa8: {  	s5 =	sshll.u32 s28, $0x1;
	[dreg:$0x2] =	wrdreg s3  }
0xa9: {  	[dreg:$0x3] =	wrdreg s5  }
0xaa: {  	[dreg:$0x4] =	wrdreg $0xC0  }
0xab: {  	_ =	task [dreg:s7], $0x5FFFF  }
0xac: {  	[dreg:$0x1] =	wrdreg $0xFFFFFFFF  }
0xad: {  	[dreg:$0x0] =	wrdreg $0x60  }
0xae: {  	[dreg:$0x2] =	wrdreg s24  }
0xaf: {  	[dreg:$0x3] =	wrdreg s2  }
0xb0: {  	[dreg:$0x4] =	wrdreg $0xA0000  }
0xb1: {  	[dreg:$0x5] =	wrdreg $0x140000  }
0xb2: {  	[dreg:$0x6] =	wrdreg $0x0  }
0xb3: {  	[dreg:$0x7] =	wrdreg $0x9  }
0xb4: {  	_ =	task.clear_ibuf [dreg:s7], $0x8FFFF;
	_ =	strace $0x90000046  }
0xb5: {  	s29 =	simm.s32 $0x9;
	_ =	strace $0x80000048  }
0xb6: {  	_ =	swait.ge [sflag:s29], $0x1  }
0xb7: {  	[sflag:s29] =	ssyncadd.s32 $0xFFFFFFFF  }
0xb8: {  	_ =	strace $0x90000048  }
0xb9: {  	_ =	sfence  }
0xba: {  	s30 =	sld [smem:$0x0];
	_ =	sdelay $0x2  }
0xbb: {  	s31 =	sshll.u32 s1, $0xD;
	s1 =	sshrl.u32 s1, $0x2  }
0xbc: {  	s3 =	sand.u32 $0x4000, s31;
	s1 =	sadd.s32 s1, s30  }
0xbd: {  	s0 =	sor.u32 s3, s0;
	s1 =	sshll.u32 s1, $0x11  }
0xbe: {  	s0 =	sor.u32 s1, s0  }
0xbf: {  	s0 =	sadd.s32 $0x8F2B, s0  }
0xc0: {  	[sflag:s0] =	ssyncadd.remote.s32 $0x1  }
0xc1: {  	_ =	sfence.sel $0xFFFF  }
0xc2: {  	[dreg:$0x0] =	wrdreg $0xFFFFFFFF;
	(pc) =	sbr.abs _section_cstart, $3  }
0xc3: {  	[dreg:$0x1] =	wrdreg $0xFFFFFFFF  }
0xc4: {  	_ =	task.clear_ibuf [dreg:s7], $0x2FFFF;
	_ =	strace $0x9FFFFFFF  }
0xc5: {  	(tm) =	ssettm $0x7FFFFFFF  }
tec
execute0_lowered:
.L_overlay_start_1:
0x0: {  	(tag) =	ssettag $0x1  }
0x1: {  	s10 =	rddreg [dreg:$0x0]  }
0x2: {  	s0 =	rddreg [dreg:$0x1]  }
0x3: {  	s3 =	rddreg [dreg:$0x2]  }
0x4: {  	s4 =	rddreg [dreg:$0x3]  }
0x5: {  	s5 =	rddreg [dreg:$0x4]  }
0x6: {  	s11 =	stileid.u32;
	s6 =	simm.s32 $0x0;
	s2 =	srdreg.scid  }
0x7: {  	s19 =	simm.s32 $0x14D90;
	s20 =	simm.s32 $0x1;
	s15 =	simm.s32 $0x14B00  }
0x8: {  	s28 =	simm.s32 $0x14400;
	s29 =	simm.s32 $0x14480;
	s30 =	simm.s32 $0x14500  }
0x9: {  	s31 =	simm.s32 $0x14580;
	s12 =	simm.s32 $0x14800;
	s13 =	simm.s32 $0x14880  }
0xa: {  	s16 =	simm.s32 $0x14900;
	s14 =	simm.s32 $0x14A00;
	s1 =	smul.u32 $0xA00, s11  }
0xb: {  	[smem:$0x7FF] =	sst s6;
	s2 =	sand.u32 $0x1, s2;
	s7 =	smul.u32 $0x28000, s11  }
0xc: {  	s22 =	smul.u32 $0x280, s11;
	_ =	strace $0x80000047;
	s9 =	ssub.s32 $0x2, s2  }
0xd: {  	s2 =	smul.u32 $0x2800, s2;
	s8 =	sadd.s32 s1, s10;
	s10 =	sadd.s32 $0x32000, s10  }
0xe: {  	s21 =	sshrl.u32 s9, $0x1;
	s7 =	sshrl.u32 s7, $0x2;
	[dreg:$0x7] =	wrdreg s22  }
0xf: {  	s11 =	sadd.s32 s22, s4;
	s18 =	sadd.s32 s1, s0;
	[dreg:$0x6] =	wrdreg s10  }
0x10: {  	s0 =	simm.s32 $0x14600;
	s7 =	sadd.s32 s7, s3;
	[dreg:$0xd] =	wrdreg s11  }
0x11: {  	s9 =	ssub.s32 s9, s21;
	s2 =	sadd.s32 s22, s2;
	[dreg:$0x8] =	wrdreg s7  }
0x12: {  	s17 =	sadd.s32 $0x28000, s8;
	s23 =	sadd.s32 $0x2000, s7;
	[dreg:$0xe] =	wrdreg s2  }
0x13: {  	s22 =	simm.s32 $0x14280;
	s24 =	sadd.s32 $0x4000, s7;
	[dreg:$0x9] =	wrdreg s23  }
0x14: {  	s21 =	simm.s32 $0x16D90;
	s25 =	sadd.s32 $0x6000, s7;
	[dreg:$0xa] =	wrdreg s24  }
0x15: {  	s7 =	sadd.s32 $0x8000, s7;
	s26 =	smax.u32 s9, $0x1;
	[dreg:$0xb] =	wrdreg s25  }
0x16: {  	s2 =	simm.s32 $0x14680;
	s9 =	simm.s32 $0x14980;
	[dreg:$0xc] =	wrdreg s7  }
0x17: {  	[dreg:$0xf] =	wrdreg s26;
	s23 =	simm.s32 $0x80;
	s24 =	simm.s32 $0x14A80  }
0x18: {  	v0 =	vimm.f32 $1.000000000e+00;
	v1 =	vimm.f32 $0.0e+00;
	s25 =	simm.s32 $0x14300;
	s26 =	simm.s32 $0x14380;
	s7 =	simm.s32 $0x0  }
.LBB2_1:
0x19: {  	[tilespmem:$0x14A80] =	vst v0  }
0x1a: {  	[tilespmem:$0x14A90] =	vst v0  }
0x1b: {  	[tilespmem:$0x14AA0] =	vst v0  }
0x1c: {  	[tilespmem:$0x14AB0] =	vst v0  }
0x1d: {  	[tilespmem:$0x14AC0] =	vst v0  }
0x1e: {  	[tilespmem:$0x14AD0] =	vst v0  }
0x1f: {  	[tilespmem:$0x14AE0] =	vst v0  }
0x20: {  	[dreg:$0x10] =	wrdreg s7;
	[tilespmem:$0x14AF0] =	vst v0;
	s7 =	simm.s32 $0x100;
	s1 =	simm.s32 $0x0  }
.LBB2_2:
0x21: {  	p0 =	sne.s32 s7, $0x7F00;
	[tilespmem:s1+$0x14DC0] =	vst v1;
	s8 =	smov.u32 s7;
	s7 =	sadd.s32 $0x100, s7  }
.Ltmp0:
0x22: {  	[tilespmem:s1+$0x14DB0] =	vst v1;
	(pc) =	sbr.rel @p0 .LBB2_2-.Ltmp0, $3  }
0x23: {  	[tilespmem:s1+$0x14D90] =	vst v1  }
0x24: {  	[tilespmem:s1+$0x14DA0] =	vst v1;
	_ =	sdelay $0x1  }
0x25: {  	s1 =	sshra.s32 s8, $0x2  }
0x26: {  	[tilespmem:s1+$0x14DC0] =	vst v1  }
0x27: {  	[tilespmem:s1+$0x14DB0] =	vst v1  }
0x28: {  	[tilespmem:s1+$0x14D90] =	vst v1  }
0x29: {  	[tilespmem:s1+$0x14DA0] =	vst v1;
	s7 =	rddreg [dreg:$0x8]  }
0x2a: {  	[spmem:s7] =	stream.linear.scatter [tilespmem:s19], [sflag:$0x1], $0x2000, $0x38;
	[tilespmem:$0x18D90] =	vst v63  }
0x2b: {  	_ =	swait.ge [sflag:s20], $0x2000  }
0x2c: {  	[sflag:s20] =	ssyncset.done $0x0  }
0x2d: {  	s8 =	rddreg [dreg:$0x9];
	[sflag:s20] =	ssyncadd.s32 $0xFFFFE000  }
0x2e: {  	[spmem:s8] =	stream.linear.scatter [tilespmem:s19], [sflag:$0x1], $0x2000, $0x38;
	[tilespmem:$0x18D90] =	vst v63  }
0x2f: {  	_ =	swait.ge [sflag:s20], $0x2000  }
0x30: {  	[sflag:s20] =	ssyncset.done $0x0  }
0x31: {  	s10 =	rddreg [dreg:$0xa];
	[sflag:s20] =	ssyncadd.s32 $0xFFFFE000  }
0x32: {  	[spmem:s10] =	stream.linear.scatter [tilespmem:s19], [sflag:$0x1], $0x2000, $0x38;
	[tilespmem:$0x18D90] =	vst v63  }
0x33: {  	_ =	swait.ge [sflag:s20], $0x2000  }
0x34: {  	[sflag:s20] =	ssyncset.done $0x0  }
0x35: {  	s7 =	rddreg [dreg:$0xb];
	[sflag:s20] =	ssyncadd.s32 $0xFFFFE000  }
0x36: {  	[spmem:s7] =	stream.linear.scatter [tilespmem:s19], [sflag:$0x1], $0x2000, $0x38;
	[tilespmem:$0x18D90] =	vst v63  }
0x37: {  	_ =	swait.ge [sflag:s20], $0x2000  }
0x38: {  	[sflag:s20] =	ssyncset.done $0x0  }
0x39: {  	s8 =	rddreg [dreg:$0xc];
	[sflag:s20] =	ssyncadd.s32 $0xFFFFE000  }
0x3a: {  	[spmem:s8] =	stream.linear.scatter [tilespmem:s19], [sflag:$0x1], $0x2000, $0x38;
	[tilespmem:$0x18D90] =	vst v63  }
0x3b: {  	_ =	swait.ge [sflag:s20], $0x2000  }
0x3c: {  	[sflag:s20] =	ssyncset.done $0x0  }
0x3d: {  	[sflag:s20] =	ssyncadd.s32 $0xFFFFE000  }
0x3e: {  	[tilespmem:$0x14B00] =	vst v1  }
0x3f: {  	[tilespmem:$0x14B10] =	vst v1  }
0x40: {  	[tilespmem:$0x14B20] =	vst v1  }
0x41: {  	[tilespmem:$0x14B30] =	vst v1  }
0x42: {  	[tilespmem:$0x14B40] =	vst v1  }
0x43: {  	[tilespmem:$0x14B50] =	vst v1  }
0x44: {  	[tilespmem:$0x14B60] =	vst v1  }
0x45: {  	[tilespmem:$0x14B70] =	vst v1  }
0x46: {  	[tilespmem:$0x14B80] =	vst v1  }
0x47: {  	[tilespmem:$0x14B90] =	vst v1  }
0x48: {  	[tilespmem:$0x14BA0] =	vst v1  }
0x49: {  	[tilespmem:$0x14BB0] =	vst v1  }
0x4a: {  	[tilespmem:$0x14BC0] =	vst v1  }
0x4b: {  	[tilespmem:$0x14BD0] =	vst v1  }
0x4c: {  	[tilespmem:$0x14BE0] =	vst v1  }
0x4d: {  	[tilespmem:$0x14BF0] =	vst v1  }
0x4e: {  	[tilespmem:$0x14C00] =	vst v1  }
0x4f: {  	[tilespmem:$0x14C10] =	vst v1  }
0x50: {  	[tilespmem:$0x14C20] =	vst v1  }
0x51: {  	[tilespmem:$0x14C30] =	vst v1  }
0x52: {  	[tilespmem:$0x14C40] =	vst v1  }
0x53: {  	[tilespmem:$0x14C50] =	vst v1  }
0x54: {  	[tilespmem:$0x14C60] =	vst v1  }
0x55: {  	[tilespmem:$0x14C70] =	vst v1  }
0x56: {  	[tilespmem:$0x14C80] =	vst v1  }
0x57: {  	[tilespmem:$0x14C90] =	vst v1  }
0x58: {  	[tilespmem:$0x14CA0] =	vst v1  }
0x59: {  	[tilespmem:$0x14CB0] =	vst v1  }
0x5a: {  	[tilespmem:$0x14CC0] =	vst v1  }
0x5b: {  	[tilespmem:$0x14CD0] =	vst v1  }
0x5c: {  	[tilespmem:$0x14CE0] =	vst v1  }
0x5d: {  	[tilespmem:$0x14CF0] =	vst v1  }
0x5e: {  	[tilespmem:$0x14D00] =	vst v1  }
0x5f: {  	[tilespmem:$0x14D10] =	vst v1  }
0x60: {  	[tilespmem:$0x14D20] =	vst v1  }
0x61: {  	[tilespmem:$0x14D30] =	vst v1  }
0x62: {  	[tilespmem:$0x14D40] =	vst v1  }
0x63: {  	[tilespmem:$0x14D50] =	vst v1  }
0x64: {  	[tilespmem:$0x14D60] =	vst v1  }
0x65: {  	[tilespmem:$0x14D70] =	vst v1  }
0x66: {  	[tilespmem:$0x14D80] =	vst v1  }
0x67: {  	[spmem:s11] =	stream.linear.scatter [tilespmem:s15], [sflag:$0x1], $0x280, $0x38;
	[tilespmem:$0x18D90] =	vst v63  }
0x68: {  	_ =	swait.ge [sflag:s20], $0x280  }
0x69: {  	[sflag:s20] =	ssyncset.done $0x0  }
0x6a: {  	[sflag:s20] =	ssyncadd.s32 $0xFFFFFD80  }
0x6b: {  	s10 =	sadd.s32 $0x0, s17;
	[bflag:$0x0] =	sbarrier.arrive $0xFFFF  }
0x6c: {  	[tilespmem:s22], [sflag:$0x1] =	stream.linear.gather [hbm4b:s10+s6], $0x400, $0x38;
	[tilespmem:$0x18D90] =	vst v63  }
0x6d: {  	_ =	swait.ge [sflag:s20], $0x400  }
0x6e: {  	[sflag:s20] =	ssyncset.done $0x0  }
0x6f: {  	[sflag:s20] =	ssyncadd.s32 $0xFFFFFC00  }
0x70: {  	[spmem:s4] =	stream.indirect.scatter.add.f32 [tilespmem:s24], [sflag:$0x1], $0x1, s22, s23, $0xb8;
	[tilespmem:$0x18D90] =	vst v63  }
0x71: {  	_ =	swait.ge [sflag:s20], $0x80  }
0x72: {  	[sflag:s20] =	ssyncset.done $0x0  }
0x73: {  	[sflag:s20] =	ssyncadd.s32 $0xFFFFFF80  }
0x74: {  	[spmem:s4] =	stream.indirect.scatter.add.f32 [tilespmem:s24], [sflag:$0x1], $0x1, s25, s23, $0xb8;
	[tilespmem:$0x18D90] =	vst v63  }
0x75: {  	_ =	swait.ge [sflag:s20], $0x80  }
0x76: {  	[sflag:s20] =	ssyncset.done $0x0  }
0x77: {  	[sflag:s20] =	ssyncadd.s32 $0xFFFFFF80  }
0x78: {  	[spmem:s4] =	stream.indirect.scatter.add.f32 [tilespmem:s24], [sflag:$0x1], $0x1, s26, s23, $0xb8;
	[tilespmem:$0x18D90] =	vst v63  }
0x79: {  	_ =	swait.ge [sflag:s20], $0x80  }
0x7a: {  	[sflag:s20] =	ssyncset.done $0x0  }
0x7b: {  	[sflag:s20] =	ssyncadd.s32 $0xFFFFFF80  }
0x7c: {  	[spmem:s4] =	stream.indirect.scatter.add.f32 [tilespmem:s24], [sflag:$0x1], $0x1, s28, s23, $0xb8;
	[tilespmem:$0x18D90] =	vst v63  }
0x7d: {  	_ =	swait.ge [sflag:s20], $0x80  }
0x7e: {  	[sflag:s20] =	ssyncset.done $0x0  }
0x7f: {  	[sflag:s20] =	ssyncadd.s32 $0xFFFFFF80  }
0x80: {  	[spmem:s4] =	stream.indirect.scatter.add.f32 [tilespmem:s24], [sflag:$0x1], $0x1, s29, s23, $0xb8;
	[tilespmem:$0x18D90] =	vst v63  }
0x81: {  	_ =	swait.ge [sflag:s20], $0x80  }
0x82: {  	[sflag:s20] =	ssyncset.done $0x0  }
0x83: {  	[sflag:s20] =	ssyncadd.s32 $0xFFFFFF80  }
0x84: {  	[spmem:s4] =	stream.indirect.scatter.add.f32 [tilespmem:s24], [sflag:$0x1], $0x1, s30, s23, $0xb8;
	[tilespmem:$0x18D90] =	vst v63  }
0x85: {  	_ =	swait.ge [sflag:s20], $0x80  }
0x86: {  	[sflag:s20] =	ssyncset.done $0x0  }
0x87: {  	[sflag:s20] =	ssyncadd.s32 $0xFFFFFF80  }
0x88: {  	[spmem:s4] =	stream.indirect.scatter.add.f32 [tilespmem:s24], [sflag:$0x1], $0x1, s31, s23, $0xb8;
	[tilespmem:$0x18D90] =	vst v63  }
0x89: {  	_ =	swait.ge [sflag:s20], $0x80  }
0x8a: {  	[sflag:s20] =	ssyncset.done $0x0  }
0x8b: {  	[sflag:s20] =	ssyncadd.s32 $0xFFFFFF80  }
0x8c: {  	[spmem:s4] =	stream.indirect.scatter.add.f32 [tilespmem:s24], [sflag:$0x1], $0x1, s0, s23, $0xb8;
	[tilespmem:$0x18D90] =	vst v63  }
0x8d: {  	_ =	swait.ge [sflag:s20], $0x80  }
0x8e: {  	s1 =	simm.s32 $0x80;
	s8 =	simm.s32 $0x100;
	[sflag:s20] =	ssyncset.done $0x0  }
.LBB2_4:
0x8f: {  	s10 =	sadd.s32 s1, s17  }
0x90: {  	[sflag:s20] =	ssyncadd.s32 $0xFFFFFF80;
	s1 =	smov.u32 s8;
	s7 =	sadd.s32 $0x80, s8  }
0x91: {  	[tilespmem:s22], [sflag:$0x1] =	stream.linear.gather [hbm4b:s10+s6], $0x400, $0x38;
	[tilespmem:$0x18D90] =	vst v63  }
0x92: {  	p0 =	sne.s32 s8, $0x980;
	_ =	swait.ge [sflag:s20], $0x400  }
0x93: {  	[sflag:s20] =	ssyncset.done $0x0  }
0x94: {  	[sflag:s20] =	ssyncadd.s32 $0xFFFFFC00  }
0x95: {  	[spmem:s4] =	stream.indirect.scatter.add.f32 [tilespmem:s24], [sflag:$0x1], $0x1, s22, s23, $0xb8;
	[tilespmem:$0x18D90] =	vst v63  }
0x96: {  	_ =	swait.ge [sflag:s20], $0x80  }
0x97: {  	[sflag:s20] =	ssyncset.done $0x0  }
0x98: {  	[sflag:s20] =	ssyncadd.s32 $0xFFFFFF80  }
0x99: {  	[spmem:s4] =	stream.indirect.scatter.add.f32 [tilespmem:s24], [sflag:$0x1], $0x1, s25, s23, $0xb8;
	[tilespmem:$0x18D90] =	vst v63  }
0x9a: {  	_ =	swait.ge [sflag:s20], $0x80  }
0x9b: {  	[sflag:s20] =	ssyncset.done $0x0  }
0x9c: {  	[sflag:s20] =	ssyncadd.s32 $0xFFFFFF80  }
0x9d: {  	[spmem:s4] =	stream.indirect.scatter.add.f32 [tilespmem:s24], [sflag:$0x1], $0x1, s26, s23, $0xb8;
	[tilespmem:$0x18D90] =	vst v63  }
0x9e: {  	_ =	swait.ge [sflag:s20], $0x80  }
0x9f: {  	[sflag:s20] =	ssyncset.done $0x0  }
0xa0: {  	[sflag:s20] =	ssyncadd.s32 $0xFFFFFF80  }
0xa1: {  	[spmem:s4] =	stream.indirect.scatter.add.f32 [tilespmem:s24], [sflag:$0x1], $0x1, s28, s23, $0xb8;
	[tilespmem:$0x18D90] =	vst v63  }
0xa2: {  	_ =	swait.ge [sflag:s20], $0x80  }
0xa3: {  	[sflag:s20] =	ssyncset.done $0x0  }
0xa4: {  	[sflag:s20] =	ssyncadd.s32 $0xFFFFFF80  }
0xa5: {  	[spmem:s4] =	stream.indirect.scatter.add.f32 [tilespmem:s24], [sflag:$0x1], $0x1, s29, s23, $0xb8;
	[tilespmem:$0x18D90] =	vst v63  }
0xa6: {  	_ =	swait.ge [sflag:s20], $0x80  }
0xa7: {  	[sflag:s20] =	ssyncset.done $0x0  }
0xa8: {  	[sflag:s20] =	ssyncadd.s32 $0xFFFFFF80  }
0xa9: {  	[spmem:s4] =	stream.indirect.scatter.add.f32 [tilespmem:s24], [sflag:$0x1], $0x1, s30, s23, $0xb8;
	[tilespmem:$0x18D90] =	vst v63  }
0xaa: {  	_ =	swait.ge [sflag:s20], $0x80  }
0xab: {  	[sflag:s20] =	ssyncset.done $0x0  }
0xac: {  	[sflag:s20] =	ssyncadd.s32 $0xFFFFFF80  }
0xad: {  	[spmem:s4] =	stream.indirect.scatter.add.f32 [tilespmem:s24], [sflag:$0x1], $0x1, s31, s23, $0xb8;
	[tilespmem:$0x18D90] =	vst v63  }
0xae: {  	_ =	swait.ge [sflag:s20], $0x80  }
.Ltmp1:
0xaf: {  	[sflag:s20] =	ssyncset.done $0x0;
	(pc) =	sbr.rel @p0 .LBB2_4-.Ltmp1, $4  }
0xb0: {  	[sflag:s20] =	ssyncadd.s32 $0xFFFFFF80  }
0xb1: {  	[spmem:s4] =	stream.indirect.scatter.add.f32 [tilespmem:s24], [sflag:$0x1], $0x1, s0, s23, $0xb8;
	[tilespmem:$0x18D90] =	vst v63  }
0xb2: {  	_ =	swait.ge [sflag:s20], $0x80  }
0xb3: {  	s8 =	smov.u32 s7;
	[sflag:s20] =	ssyncset.done $0x0  }
0xb4: {  	s1 =	sadd.s32 s1, s17;
	[sflag:s20] =	ssyncadd.s32 $0xFFFFFF80  }
0xb5: {  	[tilespmem:s22], [sflag:$0x1] =	stream.linear.gather [hbm4b:s1+s6], $0x400, $0x38;
	[tilespmem:$0x18D90] =	vst v63  }
0xb6: {  	_ =	swait.ge [sflag:s20], $0x400  }
0xb7: {  	[sflag:s20] =	ssyncset.done $0x0  }
0xb8: {  	[sflag:s20] =	ssyncadd.s32 $0xFFFFFC00  }
0xb9: {  	[spmem:s4] =	stream.indirect.scatter.add.f32 [tilespmem:s24], [sflag:$0x1], $0x1, s22, s23, $0xb8;
	[tilespmem:$0x18D90] =	vst v63  }
0xba: {  	_ =	swait.ge [sflag:s20], $0x80  }
0xbb: {  	[sflag:s20] =	ssyncset.done $0x0  }
0xbc: {  	[sflag:s20] =	ssyncadd.s32 $0xFFFFFF80  }
0xbd: {  	[spmem:s4] =	stream.indirect.scatter.add.f32 [tilespmem:s24], [sflag:$0x1], $0x1, s25, s23, $0xb8;
	[tilespmem:$0x18D90] =	vst v63  }
0xbe: {  	_ =	swait.ge [sflag:s20], $0x80  }
0xbf: {  	[sflag:s20] =	ssyncset.done $0x0  }
0xc0: {  	[sflag:s20] =	ssyncadd.s32 $0xFFFFFF80  }
0xc1: {  	[spmem:s4] =	stream.indirect.scatter.add.f32 [tilespmem:s24], [sflag:$0x1], $0x1, s26, s23, $0xb8;
	[tilespmem:$0x18D90] =	vst v63  }
0xc2: {  	_ =	swait.ge [sflag:s20], $0x80  }
0xc3: {  	[sflag:s20] =	ssyncset.done $0x0  }
0xc4: {  	[sflag:s20] =	ssyncadd.s32 $0xFFFFFF80  }
0xc5: {  	[spmem:s4] =	stream.indirect.scatter.add.f32 [tilespmem:s24], [sflag:$0x1], $0x1, s28, s23, $0xb8;
	[tilespmem:$0x18D90] =	vst v63  }
0xc6: {  	_ =	swait.ge [sflag:s20], $0x80  }
0xc7: {  	[sflag:s20] =	ssyncset.done $0x0  }
0xc8: {  	[sflag:s20] =	ssyncadd.s32 $0xFFFFFF80  }
0xc9: {  	[spmem:s4] =	stream.indirect.scatter.add.f32 [tilespmem:s24], [sflag:$0x1], $0x1, s29, s23, $0xb8;
	[tilespmem:$0x18D90] =	vst v63  }
0xca: {  	_ =	swait.ge [sflag:s20], $0x80  }
0xcb: {  	[sflag:s20] =	ssyncset.done $0x0  }
0xcc: {  	[sflag:s20] =	ssyncadd.s32 $0xFFFFFF80  }
0xcd: {  	[spmem:s4] =	stream.indirect.scatter.add.f32 [tilespmem:s24], [sflag:$0x1], $0x1, s30, s23, $0xb8;
	[tilespmem:$0x18D90] =	vst v63  }
0xce: {  	_ =	swait.ge [sflag:s20], $0x80  }
0xcf: {  	[sflag:s20] =	ssyncset.done $0x0  }
0xd0: {  	[sflag:s20] =	ssyncadd.s32 $0xFFFFFF80  }
0xd1: {  	[spmem:s4] =	stream.indirect.scatter.add.f32 [tilespmem:s24], [sflag:$0x1], $0x1, s31, s23, $0xb8;
	[tilespmem:$0x18D90] =	vst v63  }
0xd2: {  	_ =	swait.ge [sflag:s20], $0x80  }
0xd3: {  	[sflag:s20] =	ssyncset.done $0x0  }
0xd4: {  	[sflag:s20] =	ssyncadd.s32 $0xFFFFFF80  }
0xd5: {  	[spmem:s4] =	stream.indirect.scatter.add.f32 [tilespmem:s24], [sflag:$0x1], $0x1, s0, s23, $0xb8;
	[tilespmem:$0x18D90] =	vst v63  }
0xd6: {  	_ =	swait.ge [sflag:s20], $0x80  }
0xd7: {  	[sflag:s20] =	ssyncset.done $0x0  }
0xd8: {  	[sflag:s20] =	ssyncadd.s32 $0xFFFFFF80  }
0xd9: {  	[bflag:$0x0] =	sbarrier.arrive $0xFFFF  }
0xda: {  	[tilespmem:s15], [sflag:$0x1] =	stream.linear.gather [spmem:s11], $0x280, $0x38;
	[tilespmem:$0x18D90] =	vst v63  }
0xdb: {  	_ =	swait.ge [sflag:s20], $0x280  }
0xdc: {  	s7 =	simm.s32 $0x0;
	[sflag:s20] =	ssyncset.done $0x0  }
0xdd: {  	s8 =	simm.s32 $0x40;
	s1 =	simm.s32 $0x0;
	[sflag:s20] =	ssyncadd.s32 $0xFFFFFD80  }
.LBB2_6:
0xde: {  	p0 =	sne.s32 s8, $0x9C0;
	v2 =	vld [tilespmem:s7+$0x14B00];
	_ =	sdelay $0x4  }
0xdf: {  	v3 =	vmax.f32 v2, $1.000000000e+00  }
0xe0: {  	(erf) = vrcp.f32 v3;
	_ =	sdelay $0x7  }
0xe1: {  	v3 =	vmul.f32 $5.000000000e-01, v3  }
0xe2: {  	v4 =	vpop (erf)  }
0xe3: {  	v5 =	vmul.f32 v4, v3;
	_ =	sdelay $0x1  }
0xe4: {  	v5 =	vmul.f32 v5, v4;
	_ =	sdelay $0x1  }
0xe5: {  	v5 =	vsub.f32 $1.500000000e+00, v5;
	_ =	sdelay $0x1  }
0xe6: {  	v4 =	vmul.f32 v5, v4;
	_ =	sdelay $0x1  }
0xe7: {  	v5 =	vmul.f32 v4, v3;
	_ =	sdelay $0x1  }
0xe8: {  	v5 =	vmul.f32 v5, v4;
	_ =	sdelay $0x1  }
0xe9: {  	v5 =	vsub.f32 $1.500000000e+00, v5;
	_ =	sdelay $0x1  }
0xea: {  	v4 =	vmul.f32 v5, v4;
	_ =	sdelay $0x1  }
0xeb: {  	v5 =	vmul.f32 v4, v3;
	_ =	sdelay $0x1  }
0xec: {  	v5 =	vmul.f32 v5, v4;
	_ =	sdelay $0x1  }
0xed: {  	v5 =	vsub.f32 $1.500000000e+00, v5;
	_ =	sdelay $0x1  }
0xee: {  	v4 =	vmul.f32 v5, v4;
	_ =	sdelay $0x1  }
0xef: {  	v5 =	vmul.f32 v4, v3;
	_ =	sdelay $0x1  }
0xf0: {  	v5 =	vmul.f32 v5, v4;
	_ =	sdelay $0x1  }
0xf1: {  	v5 =	vsub.f32 $1.500000000e+00, v5;
	_ =	sdelay $0x1  }
0xf2: {  	v4 =	vmul.f32 v5, v4;
	_ =	sdelay $0x1  }
0xf3: {  	v5 =	vmul.f32 v4, v3;
	_ =	sdelay $0x1  }
0xf4: {  	v5 =	vmul.f32 v5, v4;
	_ =	sdelay $0x1  }
0xf5: {  	v5 =	vsub.f32 $1.500000000e+00, v5;
	_ =	sdelay $0x1  }
0xf6: {  	v4 =	vmul.f32 v5, v4;
	_ =	sdelay $0x1  }
0xf7: {  	v5 =	vmul.f32 v4, v3;
	_ =	sdelay $0x1  }
0xf8: {  	v5 =	vmul.f32 v5, v4;
	_ =	sdelay $0x1  }
0xf9: {  	v5 =	vsub.f32 $1.500000000e+00, v5;
	_ =	sdelay $0x1  }
0xfa: {  	v4 =	vmul.f32 v5, v4;
	_ =	sdelay $0x1  }
0xfb: {  	v5 =	vmul.f32 v4, v3;
	_ =	sdelay $0x1  }
0xfc: {  	v5 =	vmul.f32 v5, v4;
	_ =	sdelay $0x1  }
0xfd: {  	v5 =	vsub.f32 $1.500000000e+00, v5;
	_ =	sdelay $0x1  }
0xfe: {  	v4 =	vmul.f32 v5, v4;
	_ =	sdelay $0x1  }
0xff: {  	v5 =	vmul.f32 v4, v3;
	_ =	sdelay $0x1  }
0x100: {  	v5 =	vmul.f32 v5, v4;
	_ =	sdelay $0x1  }
0x101: {  	v5 =	vsub.f32 $1.500000000e+00, v5;
	_ =	sdelay $0x1  }
0x102: {  	v4 =	vmul.f32 v5, v4;
	_ =	sdelay $0x1  }
0x103: {  	v5 =	vmul.f32 v4, v3;
	_ =	sdelay $0x1  }
0x104: {  	v5 =	vmul.f32 v5, v4;
	_ =	sdelay $0x1  }
0x105: {  	v5 =	vsub.f32 $1.500000000e+00, v5;
	_ =	sdelay $0x1  }
0x106: {  	v4 =	vmul.f32 v5, v4;
	_ =	sdelay $0x1  }
0x107: {  	v5 =	vmul.f32 v4, v3;
	_ =	sdelay $0x1  }
0x108: {  	v5 =	vmul.f32 v5, v4;
	_ =	sdelay $0x1  }
0x109: {  	v5 =	vsub.f32 $1.500000000e+00, v5;
	_ =	sdelay $0x1  }
0x10a: {  	v4 =	vmul.f32 v5, v4;
	_ =	sdelay $0x1  }
0x10b: {  	v5 =	vmul.f32 v4, v3;
	_ =	sdelay $0x1  }
0x10c: {  	v5 =	vmul.f32 v5, v4;
	_ =	sdelay $0x1  }
0x10d: {  	v5 =	vsub.f32 $1.500000000e+00, v5;
	_ =	sdelay $0x1  }
0x10e: {  	v4 =	vmul.f32 v5, v4;
	_ =	sdelay $0x1  }
0x10f: {  	v5 =	vmul.f32 v4, v3;
	_ =	sdelay $0x1  }
0x110: {  	v5 =	vmul.f32 v5, v4;
	_ =	sdelay $0x1  }
0x111: {  	v5 =	vsub.f32 $1.500000000e+00, v5;
	_ =	sdelay $0x1  }
0x112: {  	v4 =	vmul.f32 v5, v4;
	_ =	sdelay $0x1  }
0x113: {  	v5 =	vmul.f32 v4, v3;
	_ =	sdelay $0x1  }
0x114: {  	v5 =	vmul.f32 v5, v4;
	_ =	sdelay $0x1  }
0x115: {  	v5 =	vsub.f32 $1.500000000e+00, v5;
	_ =	sdelay $0x1  }
0x116: {  	v4 =	vmul.f32 v5, v4;
	_ =	sdelay $0x1  }
0x117: {  	v5 =	vmul.f32 v4, v3;
	_ =	sdelay $0x1  }
0x118: {  	v5 =	vmul.f32 v5, v4;
	_ =	sdelay $0x1  }
0x119: {  	v5 =	vsub.f32 $1.500000000e+00, v5;
	_ =	sdelay $0x1  }
0x11a: {  	v4 =	vmul.f32 v5, v4;
	_ =	sdelay $0x1  }
0x11b: {  	v5 =	vmul.f32 v4, v3;
	_ =	sdelay $0x1  }
0x11c: {  	v5 =	vmul.f32 v5, v4;
	_ =	sdelay $0x1  }
0x11d: {  	v5 =	vsub.f32 $1.500000000e+00, v5;
	_ =	sdelay $0x1  }
0x11e: {  	v4 =	vmul.f32 v5, v4;
	_ =	sdelay $0x1  }
0x11f: {  	v5 =	vmul.f32 v4, v3;
	_ =	sdelay $0x1  }
0x120: {  	v5 =	vmul.f32 v5, v4;
	_ =	sdelay $0x1  }
0x121: {  	v5 =	vsub.f32 $1.500000000e+00, v5;
	_ =	sdelay $0x1  }
0x122: {  	v4 =	vmul.f32 v5, v4;
	_ =	sdelay $0x1  }
0x123: {  	v5 =	vmul.f32 v4, v3;
	_ =	sdelay $0x1  }
0x124: {  	v5 =	vmul.f32 v5, v4;
	_ =	sdelay $0x1  }
0x125: {  	v5 =	vsub.f32 $1.500000000e+00, v5;
	_ =	sdelay $0x1  }
0x126: {  	v4 =	vmul.f32 v5, v4;
	_ =	sdelay $0x1  }
0x127: {  	v5 =	vmul.f32 v4, v3;
	_ =	sdelay $0x1  }
0x128: {  	v5 =	vmul.f32 v5, v4;
	_ =	sdelay $0x1  }
0x129: {  	v5 =	vsub.f32 $1.500000000e+00, v5;
	_ =	sdelay $0x1  }
0x12a: {  	v4 =	vmul.f32 v5, v4;
	_ =	sdelay $0x1  }
0x12b: {  	v5 =	vmul.f32 v4, v3;
	_ =	sdelay $0x1  }
0x12c: {  	v5 =	vmul.f32 v5, v4;
	_ =	sdelay $0x1  }
0x12d: {  	v5 =	vsub.f32 $1.500000000e+00, v5;
	_ =	sdelay $0x1  }
0x12e: {  	v4 =	vmul.f32 v5, v4;
	_ =	sdelay $0x1  }
0x12f: {  	v5 =	vmul.f32 v4, v3;
	_ =	sdelay $0x1  }
0x130: {  	v5 =	vmul.f32 v5, v4;
	_ =	sdelay $0x1  }
0x131: {  	v5 =	vsub.f32 $1.500000000e+00, v5;
	_ =	sdelay $0x1  }
0x132: {  	v4 =	vmul.f32 v5, v4;
	_ =	sdelay $0x1  }
0x133: {  	v5 =	vmul.f32 v4, v3;
	_ =	sdelay $0x1  }
0x134: {  	v5 =	vmul.f32 v5, v4;
	_ =	sdelay $0x1  }
0x135: {  	v5 =	vsub.f32 $1.500000000e+00, v5;
	_ =	sdelay $0x1  }
0x136: {  	v4 =	vmul.f32 v5, v4;
	_ =	sdelay $0x1  }
0x137: {  	v3 =	vmul.f32 v4, v3;
	_ =	sdelay $0x1  }
0x138: {  	v3 =	vmul.f32 v3, v4;
	_ =	sdelay $0x1  }
0x139: {  	v3 =	vsub.f32 $1.500000000e+00, v3  }
.Ltmp2:
0x13a: {  	(pc) =	sbr.rel @p0 .LBB2_6-.Ltmp2, $4  }
0x13b: {  	v3 =	vmul.f32 v3, v4  }
0x13c: {  	vm0 =	vgt.f32 v2, $5.000000000e-01  }
0x13d: {  	v2 =	vnsel vm0, $0x0, v3  }
0x13e: {  	[tilespmem:s7+$0x14B00] =	vst v2;
	s7 =	sshra.s32 s8, $0x2;
	s8 =	sadd.s32 $0x40, s8  }
0x13f: {  	v2 =	vld [tilespmem:s7+$0x14B00];
	_ =	sdelay $0x4  }
0x140: {  	v3 =	vmax.f32 v2, $1.000000000e+00  }
0x141: {  	(erf) = vrcp.f32 v3;
	_ =	sdelay $0x7  }
0x142: {  	v3 =	vmul.f32 $5.000000000e-01, v3  }
0x143: {  	v4 =	vpop (erf)  }
0x144: {  	v5 =	vmul.f32 v4, v3;
	_ =	sdelay $0x1  }
0x145: {  	v5 =	vmul.f32 v5, v4;
	_ =	sdelay $0x1  }
0x146: {  	v5 =	vsub.f32 $1.500000000e+00, v5;
	_ =	sdelay $0x1  }
0x147: {  	v4 =	vmul.f32 v5, v4;
	_ =	sdelay $0x1  }
0x148: {  	v5 =	vmul.f32 v4, v3;
	_ =	sdelay $0x1  }
0x149: {  	v5 =	vmul.f32 v5, v4;
	_ =	sdelay $0x1  }
0x14a: {  	v5 =	vsub.f32 $1.500000000e+00, v5;
	_ =	sdelay $0x1  }
0x14b: {  	v4 =	vmul.f32 v5, v4;
	_ =	sdelay $0x1  }
0x14c: {  	v5 =	vmul.f32 v4, v3;
	_ =	sdelay $0x1  }
0x14d: {  	v5 =	vmul.f32 v5, v4;
	_ =	sdelay $0x1  }
0x14e: {  	v5 =	vsub.f32 $1.500000000e+00, v5;
	_ =	sdelay $0x1  }
0x14f: {  	v4 =	vmul.f32 v5, v4;
	_ =	sdelay $0x1  }
0x150: {  	v5 =	vmul.f32 v4, v3;
	_ =	sdelay $0x1  }
0x151: {  	v5 =	vmul.f32 v5, v4;
	_ =	sdelay $0x1  }
0x152: {  	v5 =	vsub.f32 $1.500000000e+00, v5;
	_ =	sdelay $0x1  }
0x153: {  	v4 =	vmul.f32 v5, v4;
	_ =	sdelay $0x1  }
0x154: {  	v5 =	vmul.f32 v4, v3;
	_ =	sdelay $0x1  }
0x155: {  	v5 =	vmul.f32 v5, v4;
	_ =	sdelay $0x1  }
0x156: {  	v5 =	vsub.f32 $1.500000000e+00, v5;
	_ =	sdelay $0x1  }
0x157: {  	v4 =	vmul.f32 v5, v4;
	_ =	sdelay $0x1  }
0x158: {  	v5 =	vmul.f32 v4, v3;
	_ =	sdelay $0x1  }
0x159: {  	v5 =	vmul.f32 v5, v4;
	_ =	sdelay $0x1  }
0x15a: {  	v5 =	vsub.f32 $1.500000000e+00, v5;
	_ =	sdelay $0x1  }
0x15b: {  	v4 =	vmul.f32 v5, v4;
	_ =	sdelay $0x1  }
0x15c: {  	v5 =	vmul.f32 v4, v3;
	_ =	sdelay $0x1  }
0x15d: {  	v5 =	vmul.f32 v5, v4;
	_ =	sdelay $0x1  }
0x15e: {  	v5 =	vsub.f32 $1.500000000e+00, v5;
	_ =	sdelay $0x1  }
0x15f: {  	v4 =	vmul.f32 v5, v4;
	_ =	sdelay $0x1  }
0x160: {  	v5 =	vmul.f32 v4, v3;
	_ =	sdelay $0x1  }
0x161: {  	v5 =	vmul.f32 v5, v4;
	_ =	sdelay $0x1  }
0x162: {  	v5 =	vsub.f32 $1.500000000e+00, v5;
	_ =	sdelay $0x1  }
0x163: {  	v4 =	vmul.f32 v5, v4;
	_ =	sdelay $0x1  }
0x164: {  	v5 =	vmul.f32 v4, v3;
	_ =	sdelay $0x1  }
0x165: {  	v5 =	vmul.f32 v5, v4;
	_ =	sdelay $0x1  }
0x166: {  	v5 =	vsub.f32 $1.500000000e+00, v5;
	_ =	sdelay $0x1  }
0x167: {  	v4 =	vmul.f32 v5, v4;
	_ =	sdelay $0x1  }
0x168: {  	v5 =	vmul.f32 v4, v3;
	_ =	sdelay $0x1  }
0x169: {  	v5 =	vmul.f32 v5, v4;
	_ =	sdelay $0x1  }
0x16a: {  	v5 =	vsub.f32 $1.500000000e+00, v5;
	_ =	sdelay $0x1  }
0x16b: {  	v4 =	vmul.f32 v5, v4;
	_ =	sdelay $0x1  }
0x16c: {  	v5 =	vmul.f32 v4, v3;
	_ =	sdelay $0x1  }
0x16d: {  	v5 =	vmul.f32 v5, v4;
	_ =	sdelay $0x1  }
0x16e: {  	v5 =	vsub.f32 $1.500000000e+00, v5;
	_ =	sdelay $0x1  }
0x16f: {  	v4 =	vmul.f32 v5, v4;
	_ =	sdelay $0x1  }
0x170: {  	v5 =	vmul.f32 v4, v3;
	_ =	sdelay $0x1  }
0x171: {  	v5 =	vmul.f32 v5, v4;
	_ =	sdelay $0x1  }
0x172: {  	v5 =	vsub.f32 $1.500000000e+00, v5;
	_ =	sdelay $0x1  }
0x173: {  	v4 =	vmul.f32 v5, v4;
	_ =	sdelay $0x1  }
0x174: {  	v5 =	vmul.f32 v4, v3;
	_ =	sdelay $0x1  }
0x175: {  	v5 =	vmul.f32 v5, v4;
	_ =	sdelay $0x1  }
0x176: {  	v5 =	vsub.f32 $1.500000000e+00, v5;
	_ =	sdelay $0x1  }
0x177: {  	v4 =	vmul.f32 v5, v4;
	_ =	sdelay $0x1  }
0x178: {  	v5 =	vmul.f32 v4, v3;
	_ =	sdelay $0x1  }
0x179: {  	v5 =	vmul.f32 v5, v4;
	_ =	sdelay $0x1  }
0x17a: {  	v5 =	vsub.f32 $1.500000000e+00, v5;
	_ =	sdelay $0x1  }
0x17b: {  	v4 =	vmul.f32 v5, v4;
	_ =	sdelay $0x1  }
0x17c: {  	v5 =	vmul.f32 v4, v3;
	_ =	sdelay $0x1  }
0x17d: {  	v5 =	vmul.f32 v5, v4;
	_ =	sdelay $0x1  }
0x17e: {  	v5 =	vsub.f32 $1.500000000e+00, v5;
	_ =	sdelay $0x1  }
0x17f: {  	v4 =	vmul.f32 v5, v4;
	_ =	sdelay $0x1  }
0x180: {  	v5 =	vmul.f32 v4, v3;
	_ =	sdelay $0x1  }
0x181: {  	v5 =	vmul.f32 v5, v4;
	_ =	sdelay $0x1  }
0x182: {  	v5 =	vsub.f32 $1.500000000e+00, v5;
	_ =	sdelay $0x1  }
0x183: {  	v4 =	vmul.f32 v5, v4;
	_ =	sdelay $0x1  }
0x184: {  	v5 =	vmul.f32 v4, v3;
	_ =	sdelay $0x1  }
0x185: {  	v5 =	vmul.f32 v5, v4;
	_ =	sdelay $0x1  }
0x186: {  	v5 =	vsub.f32 $1.500000000e+00, v5;
	_ =	sdelay $0x1  }
0x187: {  	v4 =	vmul.f32 v5, v4;
	_ =	sdelay $0x1  }
0x188: {  	v5 =	vmul.f32 v4, v3;
	_ =	sdelay $0x1  }
0x189: {  	v5 =	vmul.f32 v5, v4;
	_ =	sdelay $0x1  }
0x18a: {  	v5 =	vsub.f32 $1.500000000e+00, v5;
	_ =	sdelay $0x1  }
0x18b: {  	v4 =	vmul.f32 v5, v4;
	_ =	sdelay $0x1  }
0x18c: {  	v5 =	vmul.f32 v4, v3;
	_ =	sdelay $0x1  }
0x18d: {  	v5 =	vmul.f32 v5, v4;
	_ =	sdelay $0x1  }
0x18e: {  	v5 =	vsub.f32 $1.500000000e+00, v5;
	_ =	sdelay $0x1  }
0x18f: {  	v4 =	vmul.f32 v5, v4;
	_ =	sdelay $0x1  }
0x190: {  	v5 =	vmul.f32 v4, v3;
	_ =	sdelay $0x1  }
0x191: {  	v5 =	vmul.f32 v5, v4;
	_ =	sdelay $0x1  }
0x192: {  	v5 =	vsub.f32 $1.500000000e+00, v5;
	_ =	sdelay $0x1  }
0x193: {  	v4 =	vmul.f32 v5, v4;
	_ =	sdelay $0x1  }
0x194: {  	v5 =	vmul.f32 v4, v3;
	_ =	sdelay $0x1  }
0x195: {  	v5 =	vmul.f32 v5, v4;
	_ =	sdelay $0x1  }
0x196: {  	v5 =	vsub.f32 $1.500000000e+00, v5;
	_ =	sdelay $0x1  }
0x197: {  	v4 =	vmul.f32 v5, v4;
	_ =	sdelay $0x1  }
0x198: {  	v3 =	vmul.f32 v4, v3;
	_ =	sdelay $0x1  }
0x199: {  	v3 =	vmul.f32 v3, v4;
	_ =	sdelay $0x1  }
0x19a: {  	v3 =	vsub.f32 $1.500000000e+00, v3;
	_ =	sdelay $0x1  }
0x19b: {  	v3 =	vmul.f32 v3, v4  }
0x19c: {  	vm0 =	vgt.f32 v2, $5.000000000e-01  }
0x19d: {  	v2 =	vnsel vm0, $0x0, v3  }
0x19e: {  	[tilespmem:s7+$0x14B00] =	vst v2;
	s7 =	simm.s32 $0x14B00  }
.LBB2_8:
0x19f: {  	s8 =	sshll.u32 s1, $0x7;
	s10 =	rddreg [dreg:$0xe]  }
0x1a0: {  	s10 =	sadd.s32 s8, s10  }
0x1a1: {  	s11 =	rddreg [dreg:$0x0];
	s10 =	sshll.u32 s10, $0x3  }
0x1a2: {  	s15 =	simm.s32 $0x0;
	s10 =	sadd.s32 s11, s10  }
0x1a3: {  	[tilespmem:s19], [sflag:$0x1] =	stream.linear.gather [hbm4b:s10+s15], $0x2000, $0x38;
	[tilespmem:$0x18D90] =	vst v63  }
0x1a4: {  	_ =	swait.ge [sflag:s20], $0x2000  }
0x1a5: {  	[sflag:s20] =	ssyncset.done $0x0  }
0x1a6: {  	s15 =	simm.s32 $0x14DB0;
	[sflag:s20] =	ssyncadd.s32 $0xFFFFE000  }
0x1a7: {  	v2 =	vld [tilespmem:s15+$0xFFFFFFF0]  }
0x1a8: {  	s19 =	sadd.s32 $0x0, s7;
	v4 =	vld [tilespmem:s15+$0x10]  }
0x1a9: {  	v6 =	vld.msk [tilespmem:s19+$0x0 ss:$0x0], $0xffff  }
0x1aa: {  	v3 =	vld [tilespmem:s15+$0xFFFFFFE0]  }
0x1ab: {  	v7 =	vld [tilespmem:s15+$0x0];
	_ =	sdelay $0x3  }
0x1ac: {  	v3 =	vmul.f32 v6, v3;
	v5 =	vmul.f32 v4, v6  }
0x1ad: {  	s10 =	simm.s32 $0x14DB0;
	s19 =	simm.s32 $0x4;
	v4 =	vmul.f32 v2, v6;
	v2 =	vmul.f32 v7, v6  }
.LBB2_9:
0x1ae: {  	p0 =	sne.s32 s19, $0x1FC  }
0x1af: {  	[tilespmem:s15+$0x10] =	vst v5;
	s10 =	sadd.s32 $0x40, s10;
	s11 =	smov.u32 s19;
	s19 =	sadd.s32 $0x4, s19  }
0x1b0: {  	[tilespmem:s15+$0xFFFFFFE0] =	vst v3  }
0x1b1: {  	s11 =	sshra.s32 s11, $0x2;
	v6 =	vld [tilespmem:s10+$0xFFFFFFF0];
	[tilespmem:s15+$0xFFFFFFF0] =	vst v4  }
0x1b2: {  	s11 =	sadd.s32 s11, s7;
	v4 =	vld [tilespmem:s10+$0x10];
	[tilespmem:s15+$0x0] =	vst v2;
	s15 =	smov.u32 s10  }
0x1b3: {  	v2 =	vld.msk [tilespmem:s11+$0x0 ss:$0x0], $0xffff  }
0x1b4: {  	v3 =	vld [tilespmem:s10+$0xFFFFFFE0]  }
0x1b5: {  	v7 =	vld [tilespmem:s10+$0x0]  }
.Ltmp3:
0x1b6: {  	(pc) =	sbr.rel @p0 .LBB2_9-.Ltmp3, $3  }
0x1b7: {  	_ =	sdelay $0x1  }
0x1b8: {  	v5 =	vmul.f32 v4, v2;
	v3 =	vmul.f32 v2, v3  }
0x1b9: {  	v4 =	vmul.f32 v6, v2;
	v2 =	vmul.f32 v7, v2  }
0x1ba: {  	s10 =	rddreg [dreg:$0x7]  }
0x1bb: {  	[tilespmem:s15+$0x10] =	vst v5;
	s8 =	sadd.s32 s10, s8  }
0x1bc: {  	[tilespmem:s15+$0xFFFFFFE0] =	vst v3;
	s1 =	sadd.s32 $0x1, s1;
	s8 =	sshll.u32 s8, $0x6  }
0x1bd: {  	[tilespmem:s15+$0xFFFFFFF0] =	vst v4;
	p0 =	sne.s32 s1, $0x5;
	s8 =	sand.u32 $0x3FFFFFC0, s8  }
.Ltmp4:
0x1be: {  	s19 =	simm.s32 $0x14D90;
	[tilespmem:s15+$0x0] =	vst v2;
	s8 =	sadd.s32 s8, s5;
	(pc) =	sbr.rel @p0 .LBB2_8-.Ltmp4, $4  }
0x1bf: {  	[spmem:s8] =	stream.linear.scatter [tilespmem:s19], [sflag:$0x1], $0x2000, $0x38;
	[tilespmem:$0x18D90] =	vst v63  }
0x1c0: {  	_ =	swait.ge [sflag:s20], $0x2000  }
0x1c1: {  	[sflag:s20] =	ssyncset.done $0x0  }
0x1c2: {  	s7 =	sadd.s32 $0x80, s7;
	[sflag:s20] =	ssyncadd.s32 $0xFFFFE000  }
0x1c3: {  	[bflag:$0x0] =	sbarrier.arrive $0xFFFF;
	s1 =	sadd.s32 $0x0, s17  }
0x1c4: {  	[tilespmem:s22], [sflag:$0x1] =	stream.linear.gather [hbm4b:s1+s6], $0x400, $0x38;
	[tilespmem:$0x18D90] =	vst v63  }
0x1c5: {  	_ =	swait.ge [sflag:s20], $0x400  }
0x1c6: {  	[sflag:s20] =	ssyncset.done $0x0  }
0x1c7: {  	s10 =	sadd.s32 $0x0, s18;
	[sflag:s20] =	ssyncadd.s32 $0xFFFFFC00  }
0x1c8: {  	[tilespmem:s2], [sflag:$0x1] =	stream.linear.gather [hbm4b:s10+s6], $0x400, $0x38;
	[tilespmem:$0x18D90] =	vst v63  }
0x1c9: {  	_ =	swait.ge [sflag:s20], $0x400  }
0x1ca: {  	[sflag:s20] =	ssyncset.done $0x0  }
0x1cb: {  	[sflag:s20] =	ssyncadd.s32 $0xFFFFFC00  }
0x1cc: {  	[tilespmem:s21], [sflag:$0x1] =	stream.indirect.gather [spmem:s5], $0x40, s22, s23, $0xb8;
	[tilespmem:$0x18D90] =	vst v63  }
0x1cd: {  	_ =	swait.ge [sflag:s20], $0x2000  }
0x1ce: {  	[sflag:s20] =	ssyncset.done $0x0  }
0x1cf: {  	[sflag:s20] =	ssyncadd.s32 $0xFFFFE000  }
0x1d0: {  	[spmem:s3] =	stream.indirect.scatter.add.f32 [tilespmem:s21], [sflag:$0x1], $0x40, s2, s23, $0xb8;
	[tilespmem:$0x18D90] =	vst v63  }
0x1d1: {  	_ =	swait.ge [sflag:s20], $0x2000  }
0x1d2: {  	[sflag:s20] =	ssyncset.done $0x0  }
0x1d3: {  	[sflag:s20] =	ssyncadd.s32 $0xFFFFE000  }
0x1d4: {  	[tilespmem:s21], [sflag:$0x1] =	stream.indirect.gather [spmem:s5], $0x40, s25, s23, $0xb8;
	[tilespmem:$0x18D90] =	vst v63  }
0x1d5: {  	_ =	swait.ge [sflag:s20], $0x2000  }
0x1d6: {  	[sflag:s20] =	ssyncset.done $0x0  }
0x1d7: {  	s15 =	simm.s32 $0x14700;
	[sflag:s20] =	ssyncadd.s32 $0xFFFFE000  }
0x1d8: {  	[spmem:s3] =	stream.indirect.scatter.add.f32 [tilespmem:s21], [sflag:$0x1], $0x40, s15, s23, $0xb8;
	[tilespmem:$0x18D90] =	vst v63  }
0x1d9: {  	_ =	swait.ge [sflag:s20], $0x2000  }
0x1da: {  	[sflag:s20] =	ssyncset.done $0x0  }
0x1db: {  	[sflag:s20] =	ssyncadd.s32 $0xFFFFE000  }
0x1dc: {  	[tilespmem:s21], [sflag:$0x1] =	stream.indirect.gather [spmem:s5], $0x40, s26, s23, $0xb8;
	[tilespmem:$0x18D90] =	vst v63  }
0x1dd: {  	_ =	swait.ge [sflag:s20], $0x2000  }
0x1de: {  	[sflag:s20] =	ssyncset.done $0x0  }
0x1df: {  	s11 =	simm.s32 $0x14780;
	[sflag:s20] =	ssyncadd.s32 $0xFFFFE000  }
0x1e0: {  	[spmem:s3] =	stream.indirect.scatter.add.f32 [tilespmem:s21], [sflag:$0x1], $0x40, s11, s23, $0xb8;
	[tilespmem:$0x18D90] =	vst v63  }
0x1e1: {  	_ =	swait.ge [sflag:s20], $0x2000  }
0x1e2: {  	[sflag:s20] =	ssyncset.done $0x0  }
0x1e3: {  	[sflag:s20] =	ssyncadd.s32 $0xFFFFE000  }
0x1e4: {  	[tilespmem:s21], [sflag:$0x1] =	stream.indirect.gather [spmem:s5], $0x40, s28, s23, $0xb8;
	[tilespmem:$0x18D90] =	vst v63  }
0x1e5: {  	_ =	swait.ge [sflag:s20], $0x2000  }
0x1e6: {  	[sflag:s20] =	ssyncset.done $0x0  }
0x1e7: {  	[sflag:s20] =	ssyncadd.s32 $0xFFFFE000  }
0x1e8: {  	[spmem:s3] =	stream.indirect.scatter.add.f32 [tilespmem:s21], [sflag:$0x1], $0x40, s12, s23, $0xb8;
	[tilespmem:$0x18D90] =	vst v63  }
0x1e9: {  	_ =	swait.ge [sflag:s20], $0x2000  }
0x1ea: {  	[sflag:s20] =	ssyncset.done $0x0  }
0x1eb: {  	[sflag:s20] =	ssyncadd.s32 $0xFFFFE000  }
0x1ec: {  	[tilespmem:s21], [sflag:$0x1] =	stream.indirect.gather [spmem:s5], $0x40, s29, s23, $0xb8;
	[tilespmem:$0x18D90] =	vst v63  }
0x1ed: {  	_ =	swait.ge [sflag:s20], $0x2000  }
0x1ee: {  	[sflag:s20] =	ssyncset.done $0x0  }
0x1ef: {  	[sflag:s20] =	ssyncadd.s32 $0xFFFFE000  }
0x1f0: {  	[spmem:s3] =	stream.indirect.scatter.add.f32 [tilespmem:s21], [sflag:$0x1], $0x40, s13, s23, $0xb8;
	[tilespmem:$0x18D90] =	vst v63  }
0x1f1: {  	_ =	swait.ge [sflag:s20], $0x2000  }
0x1f2: {  	[sflag:s20] =	ssyncset.done $0x0  }
0x1f3: {  	[sflag:s20] =	ssyncadd.s32 $0xFFFFE000  }
0x1f4: {  	[tilespmem:s21], [sflag:$0x1] =	stream.indirect.gather [spmem:s5], $0x40, s30, s23, $0xb8;
	[tilespmem:$0x18D90] =	vst v63  }
0x1f5: {  	_ =	swait.ge [sflag:s20], $0x2000  }
0x1f6: {  	[sflag:s20] =	ssyncset.done $0x0  }
0x1f7: {  	[sflag:s20] =	ssyncadd.s32 $0xFFFFE000  }
0x1f8: {  	[spmem:s3] =	stream.indirect.scatter.add.f32 [tilespmem:s21], [sflag:$0x1], $0x40, s16, s23, $0xb8;
	[tilespmem:$0x18D90] =	vst v63  }
0x1f9: {  	_ =	swait.ge [sflag:s20], $0x2000  }
0x1fa: {  	[sflag:s20] =	ssyncset.done $0x0  }
0x1fb: {  	[sflag:s20] =	ssyncadd.s32 $0xFFFFE000  }
0x1fc: {  	[tilespmem:s21], [sflag:$0x1] =	stream.indirect.gather [spmem:s5], $0x40, s31, s23, $0xb8;
	[tilespmem:$0x18D90] =	vst v63  }
0x1fd: {  	_ =	swait.ge [sflag:s20], $0x2000  }
0x1fe: {  	[sflag:s20] =	ssyncset.done $0x0  }
0x1ff: {  	[sflag:s20] =	ssyncadd.s32 $0xFFFFE000  }
0x200: {  	[spmem:s3] =	stream.indirect.scatter.add.f32 [tilespmem:s21], [sflag:$0x1], $0x40, s9, s23, $0xb8;
	[tilespmem:$0x18D90] =	vst v63  }
0x201: {  	_ =	swait.ge [sflag:s20], $0x2000  }
0x202: {  	[sflag:s20] =	ssyncset.done $0x0  }
0x203: {  	[sflag:s20] =	ssyncadd.s32 $0xFFFFE000  }
0x204: {  	[tilespmem:s21], [sflag:$0x1] =	stream.indirect.gather [spmem:s5], $0x40, s0, s23, $0xb8;
	[tilespmem:$0x18D90] =	vst v63  }
0x205: {  	_ =	swait.ge [sflag:s20], $0x2000  }
0x206: {  	[sflag:s20] =	ssyncset.done $0x0  }
0x207: {  	[sflag:s20] =	ssyncadd.s32 $0xFFFFE000  }
0x208: {  	[spmem:s3] =	stream.indirect.scatter.add.f32 [tilespmem:s21], [sflag:$0x1], $0x40, s14, s23, $0xb8;
	[tilespmem:$0x18D90] =	vst v63  }
0x209: {  	_ =	swait.ge [sflag:s20], $0x2000  }
0x20a: {  	s8 =	simm.s32 $0x100;
	s1 =	simm.s32 $0x80;
	[sflag:s20] =	ssyncset.done $0x0  }
.LBB2_12:
0x20b: {  	s10 =	sadd.s32 s1, s17  }
0x20c: {  	[sflag:s20] =	ssyncadd.s32 $0xFFFFE000;
	s11 =	smov.u32 s8;
	s7 =	sadd.s32 $0x80, s8  }
0x20d: {  	[tilespmem:s22], [sflag:$0x1] =	stream.linear.gather [hbm4b:s10+s6], $0x400, $0x38;
	[tilespmem:$0x18D90] =	vst v63  }
0x20e: {  	p0 =	sne.s32 s8, $0x980;
	_ =	swait.ge [sflag:s20], $0x400  }
0x20f: {  	s8 =	sadd.s32 s1, s18;
	[sflag:s20] =	ssyncset.done $0x0  }
0x210: {  	s1 =	smov.u32 s11;
	s10 =	simm.s32 $0x14780;
	[sflag:s20] =	ssyncadd.s32 $0xFFFFFC00  }
0x211: {  	[tilespmem:s2], [sflag:$0x1] =	stream.linear.gather [hbm4b:s8+s6], $0x400, $0x38;
	[tilespmem:$0x18D90] =	vst v63  }
0x212: {  	_ =	swait.ge [sflag:s20], $0x400  }
0x213: {  	[sflag:s20] =	ssyncset.done $0x0  }
0x214: {  	[sflag:s20] =	ssyncadd.s32 $0xFFFFFC00  }
0x215: {  	[tilespmem:s21], [sflag:$0x1] =	stream.indirect.gather [spmem:s5], $0x40, s22, s23, $0xb8;
	[tilespmem:$0x18D90] =	vst v63  }
0x216: {  	_ =	swait.ge [sflag:s20], $0x2000  }
0x217: {  	[sflag:s20] =	ssyncset.done $0x0  }
0x218: {  	[sflag:s20] =	ssyncadd.s32 $0xFFFFE000  }
0x219: {  	[spmem:s3] =	stream.indirect.scatter.add.f32 [tilespmem:s21], [sflag:$0x1], $0x40, s2, s23, $0xb8;
	[tilespmem:$0x18D90] =	vst v63  }
0x21a: {  	_ =	swait.ge [sflag:s20], $0x2000  }
0x21b: {  	[sflag:s20] =	ssyncset.done $0x0  }
0x21c: {  	[sflag:s20] =	ssyncadd.s32 $0xFFFFE000  }
0x21d: {  	[tilespmem:s21], [sflag:$0x1] =	stream.indirect.gather [spmem:s5], $0x40, s25, s23, $0xb8;
	[tilespmem:$0x18D90] =	vst v63  }
0x21e: {  	_ =	swait.ge [sflag:s20], $0x2000  }
0x21f: {  	[sflag:s20] =	ssyncset.done $0x0  }
0x220: {  	[sflag:s20] =	ssyncadd.s32 $0xFFFFE000  }
0x221: {  	[spmem:s3] =	stream.indirect.scatter.add.f32 [tilespmem:s21], [sflag:$0x1], $0x40, s15, s23, $0xb8;
	[tilespmem:$0x18D90] =	vst v63  }
0x222: {  	_ =	swait.ge [sflag:s20], $0x2000  }
0x223: {  	[sflag:s20] =	ssyncset.done $0x0  }
0x224: {  	[sflag:s20] =	ssyncadd.s32 $0xFFFFE000  }
0x225: {  	[tilespmem:s21], [sflag:$0x1] =	stream.indirect.gather [spmem:s5], $0x40, s26, s23, $0xb8;
	[tilespmem:$0x18D90] =	vst v63  }
0x226: {  	_ =	swait.ge [sflag:s20], $0x2000  }
0x227: {  	[sflag:s20] =	ssyncset.done $0x0  }
0x228: {  	[sflag:s20] =	ssyncadd.s32 $0xFFFFE000  }
0x229: {  	[spmem:s3] =	stream.indirect.scatter.add.f32 [tilespmem:s21], [sflag:$0x1], $0x40, s10, s23, $0xb8;
	[tilespmem:$0x18D90] =	vst v63  }
0x22a: {  	_ =	swait.ge [sflag:s20], $0x2000  }
0x22b: {  	[sflag:s20] =	ssyncset.done $0x0  }
0x22c: {  	[sflag:s20] =	ssyncadd.s32 $0xFFFFE000  }
0x22d: {  	[tilespmem:s21], [sflag:$0x1] =	stream.indirect.gather [spmem:s5], $0x40, s28, s23, $0xb8;
	[tilespmem:$0x18D90] =	vst v63  }
0x22e: {  	_ =	swait.ge [sflag:s20], $0x2000  }
0x22f: {  	[sflag:s20] =	ssyncset.done $0x0  }
0x230: {  	[sflag:s20] =	ssyncadd.s32 $0xFFFFE000  }
0x231: {  	[spmem:s3] =	stream.indirect.scatter.add.f32 [tilespmem:s21], [sflag:$0x1], $0x40, s12, s23, $0xb8;
	[tilespmem:$0x18D90] =	vst v63  }
0x232: {  	_ =	swait.ge [sflag:s20], $0x2000  }
0x233: {  	[sflag:s20] =	ssyncset.done $0x0  }
0x234: {  	[sflag:s20] =	ssyncadd.s32 $0xFFFFE000  }
0x235: {  	[tilespmem:s21], [sflag:$0x1] =	stream.indirect.gather [spmem:s5], $0x40, s29, s23, $0xb8;
	[tilespmem:$0x18D90] =	vst v63  }
0x236: {  	_ =	swait.ge [sflag:s20], $0x2000  }
0x237: {  	[sflag:s20] =	ssyncset.done $0x0  }
0x238: {  	[sflag:s20] =	ssyncadd.s32 $0xFFFFE000  }
0x239: {  	[spmem:s3] =	stream.indirect.scatter.add.f32 [tilespmem:s21], [sflag:$0x1], $0x40, s13, s23, $0xb8;
	[tilespmem:$0x18D90] =	vst v63  }
0x23a: {  	_ =	swait.ge [sflag:s20], $0x2000  }
0x23b: {  	[sflag:s20] =	ssyncset.done $0x0  }
0x23c: {  	[sflag:s20] =	ssyncadd.s32 $0xFFFFE000  }
0x23d: {  	[tilespmem:s21], [sflag:$0x1] =	stream.indirect.gather [spmem:s5], $0x40, s30, s23, $0xb8;
	[tilespmem:$0x18D90] =	vst v63  }
0x23e: {  	_ =	swait.ge [sflag:s20], $0x2000  }
0x23f: {  	[sflag:s20] =	ssyncset.done $0x0  }
0x240: {  	[sflag:s20] =	ssyncadd.s32 $0xFFFFE000  }
0x241: {  	[spmem:s3] =	stream.indirect.scatter.add.f32 [tilespmem:s21], [sflag:$0x1], $0x40, s16, s23, $0xb8;
	[tilespmem:$0x18D90] =	vst v63  }
0x242: {  	_ =	swait.ge [sflag:s20], $0x2000  }
0x243: {  	[sflag:s20] =	ssyncset.done $0x0  }
0x244: {  	[sflag:s20] =	ssyncadd.s32 $0xFFFFE000  }
0x245: {  	[tilespmem:s21], [sflag:$0x1] =	stream.indirect.gather [spmem:s5], $0x40, s31, s23, $0xb8;
	[tilespmem:$0x18D90] =	vst v63  }
0x246: {  	_ =	swait.ge [sflag:s20], $0x2000  }
0x247: {  	[sflag:s20] =	ssyncset.done $0x0  }
0x248: {  	[sflag:s20] =	ssyncadd.s32 $0xFFFFE000  }
0x249: {  	[spmem:s3] =	stream.indirect.scatter.add.f32 [tilespmem:s21], [sflag:$0x1], $0x40, s9, s23, $0xb8;
	[tilespmem:$0x18D90] =	vst v63  }
0x24a: {  	_ =	swait.ge [sflag:s20], $0x2000  }
0x24b: {  	[sflag:s20] =	ssyncset.done $0x0  }
0x24c: {  	[sflag:s20] =	ssyncadd.s32 $0xFFFFE000  }
0x24d: {  	[tilespmem:s21], [sflag:$0x1] =	stream.indirect.gather [spmem:s5], $0x40, s0, s23, $0xb8;
	[tilespmem:$0x18D90] =	vst v63  }
0x24e: {  	_ =	swait.ge [sflag:s20], $0x2000  }
.Ltmp5:
0x24f: {  	[sflag:s20] =	ssyncset.done $0x0;
	(pc) =	sbr.rel @p0 .LBB2_12-.Ltmp5, $4  }
0x250: {  	[sflag:s20] =	ssyncadd.s32 $0xFFFFE000  }
0x251: {  	[spmem:s3] =	stream.indirect.scatter.add.f32 [tilespmem:s21], [sflag:$0x1], $0x40, s14, s23, $0xb8;
	[tilespmem:$0x18D90] =	vst v63  }
0x252: {  	_ =	swait.ge [sflag:s20], $0x2000  }
0x253: {  	s8 =	smov.u32 s7;
	[sflag:s20] =	ssyncset.done $0x0  }
0x254: {  	s7 =	sadd.s32 s1, s17;
	[sflag:s20] =	ssyncadd.s32 $0xFFFFE000  }
0x255: {  	[tilespmem:s22], [sflag:$0x1] =	stream.linear.gather [hbm4b:s7+s6], $0x400, $0x38;
	[tilespmem:$0x18D90] =	vst v63  }
0x256: {  	_ =	swait.ge [sflag:s20], $0x400  }
0x257: {  	[sflag:s20] =	ssyncset.done $0x0  }
0x258: {  	s11 =	sadd.s32 s1, s18;
	[sflag:s20] =	ssyncadd.s32 $0xFFFFFC00  }
0x259: {  	[tilespmem:s2], [sflag:$0x1] =	stream.linear.gather [hbm4b:s11+s6], $0x400, $0x38;
	[tilespmem:$0x18D90] =	vst v63  }
0x25a: {  	_ =	swait.ge [sflag:s20], $0x400  }
0x25b: {  	[sflag:s20] =	ssyncset.done $0x0  }
0x25c: {  	[sflag:s20] =	ssyncadd.s32 $0xFFFFFC00  }
0x25d: {  	[tilespmem:s21], [sflag:$0x1] =	stream.indirect.gather [spmem:s5], $0x40, s22, s23, $0xb8;
	[tilespmem:$0x18D90] =	vst v63  }
0x25e: {  	_ =	swait.ge [sflag:s20], $0x2000  }
0x25f: {  	[sflag:s20] =	ssyncset.done $0x0  }
0x260: {  	[sflag:s20] =	ssyncadd.s32 $0xFFFFE000  }
0x261: {  	[spmem:s3] =	stream.indirect.scatter.add.f32 [tilespmem:s21], [sflag:$0x1], $0x40, s2, s23, $0xb8;
	[tilespmem:$0x18D90] =	vst v63  }
0x262: {  	_ =	swait.ge [sflag:s20], $0x2000  }
0x263: {  	[sflag:s20] =	ssyncset.done $0x0  }
0x264: {  	[sflag:s20] =	ssyncadd.s32 $0xFFFFE000  }
0x265: {  	[tilespmem:s21], [sflag:$0x1] =	stream.indirect.gather [spmem:s5], $0x40, s25, s23, $0xb8;
	[tilespmem:$0x18D90] =	vst v63  }
0x266: {  	_ =	swait.ge [sflag:s20], $0x2000  }
0x267: {  	[sflag:s20] =	ssyncset.done $0x0  }
0x268: {  	[sflag:s20] =	ssyncadd.s32 $0xFFFFE000  }
0x269: {  	[spmem:s3] =	stream.indirect.scatter.add.f32 [tilespmem:s21], [sflag:$0x1], $0x40, s15, s23, $0xb8;
	[tilespmem:$0x18D90] =	vst v63  }
0x26a: {  	_ =	swait.ge [sflag:s20], $0x2000  }
0x26b: {  	[sflag:s20] =	ssyncset.done $0x0  }
0x26c: {  	[sflag:s20] =	ssyncadd.s32 $0xFFFFE000  }
0x26d: {  	[tilespmem:s21], [sflag:$0x1] =	stream.indirect.gather [spmem:s5], $0x40, s26, s23, $0xb8;
	[tilespmem:$0x18D90] =	vst v63  }
0x26e: {  	_ =	swait.ge [sflag:s20], $0x2000  }
0x26f: {  	[sflag:s20] =	ssyncset.done $0x0  }
0x270: {  	[sflag:s20] =	ssyncadd.s32 $0xFFFFE000  }
0x271: {  	[spmem:s3] =	stream.indirect.scatter.add.f32 [tilespmem:s21], [sflag:$0x1], $0x40, s10, s23, $0xb8;
	[tilespmem:$0x18D90] =	vst v63  }
0x272: {  	_ =	swait.ge [sflag:s20], $0x2000  }
0x273: {  	[sflag:s20] =	ssyncset.done $0x0  }
0x274: {  	[sflag:s20] =	ssyncadd.s32 $0xFFFFE000  }
0x275: {  	[tilespmem:s21], [sflag:$0x1] =	stream.indirect.gather [spmem:s5], $0x40, s28, s23, $0xb8;
	[tilespmem:$0x18D90] =	vst v63  }
0x276: {  	_ =	swait.ge [sflag:s20], $0x2000  }
0x277: {  	[sflag:s20] =	ssyncset.done $0x0  }
0x278: {  	[sflag:s20] =	ssyncadd.s32 $0xFFFFE000  }
0x279: {  	[spmem:s3] =	stream.indirect.scatter.add.f32 [tilespmem:s21], [sflag:$0x1], $0x40, s12, s23, $0xb8;
	[tilespmem:$0x18D90] =	vst v63  }
0x27a: {  	_ =	swait.ge [sflag:s20], $0x2000  }
0x27b: {  	[sflag:s20] =	ssyncset.done $0x0  }
0x27c: {  	[sflag:s20] =	ssyncadd.s32 $0xFFFFE000  }
0x27d: {  	[tilespmem:s21], [sflag:$0x1] =	stream.indirect.gather [spmem:s5], $0x40, s29, s23, $0xb8;
	[tilespmem:$0x18D90] =	vst v63  }
0x27e: {  	_ =	swait.ge [sflag:s20], $0x2000  }
0x27f: {  	[sflag:s20] =	ssyncset.done $0x0  }
0x280: {  	[sflag:s20] =	ssyncadd.s32 $0xFFFFE000  }
0x281: {  	[spmem:s3] =	stream.indirect.scatter.add.f32 [tilespmem:s21], [sflag:$0x1], $0x40, s13, s23, $0xb8;
	[tilespmem:$0x18D90] =	vst v63  }
0x282: {  	_ =	swait.ge [sflag:s20], $0x2000  }
0x283: {  	[sflag:s20] =	ssyncset.done $0x0  }
0x284: {  	[sflag:s20] =	ssyncadd.s32 $0xFFFFE000  }
0x285: {  	[tilespmem:s21], [sflag:$0x1] =	stream.indirect.gather [spmem:s5], $0x40, s30, s23, $0xb8;
	[tilespmem:$0x18D90] =	vst v63  }
0x286: {  	_ =	swait.ge [sflag:s20], $0x2000  }
0x287: {  	[sflag:s20] =	ssyncset.done $0x0  }
0x288: {  	[sflag:s20] =	ssyncadd.s32 $0xFFFFE000  }
0x289: {  	[spmem:s3] =	stream.indirect.scatter.add.f32 [tilespmem:s21], [sflag:$0x1], $0x40, s16, s23, $0xb8;
	[tilespmem:$0x18D90] =	vst v63  }
0x28a: {  	_ =	swait.ge [sflag:s20], $0x2000  }
0x28b: {  	[sflag:s20] =	ssyncset.done $0x0  }
0x28c: {  	[sflag:s20] =	ssyncadd.s32 $0xFFFFE000  }
0x28d: {  	[tilespmem:s21], [sflag:$0x1] =	stream.indirect.gather [spmem:s5], $0x40, s31, s23, $0xb8;
	[tilespmem:$0x18D90] =	vst v63  }
0x28e: {  	_ =	swait.ge [sflag:s20], $0x2000  }
0x28f: {  	[sflag:s20] =	ssyncset.done $0x0  }
0x290: {  	[sflag:s20] =	ssyncadd.s32 $0xFFFFE000  }
0x291: {  	[spmem:s3] =	stream.indirect.scatter.add.f32 [tilespmem:s21], [sflag:$0x1], $0x40, s9, s23, $0xb8;
	[tilespmem:$0x18D90] =	vst v63  }
0x292: {  	_ =	swait.ge [sflag:s20], $0x2000  }
0x293: {  	[sflag:s20] =	ssyncset.done $0x0  }
0x294: {  	[sflag:s20] =	ssyncadd.s32 $0xFFFFE000  }
0x295: {  	[tilespmem:s21], [sflag:$0x1] =	stream.indirect.gather [spmem:s5], $0x40, s0, s23, $0xb8;
	[tilespmem:$0x18D90] =	vst v63  }
0x296: {  	_ =	swait.ge [sflag:s20], $0x2000  }
0x297: {  	[sflag:s20] =	ssyncset.done $0x0  }
0x298: {  	[sflag:s20] =	ssyncadd.s32 $0xFFFFE000  }
0x299: {  	[spmem:s3] =	stream.indirect.scatter.add.f32 [tilespmem:s21], [sflag:$0x1], $0x40, s14, s23, $0xb8;
	[tilespmem:$0x18D90] =	vst v63  }
0x29a: {  	_ =	swait.ge [sflag:s20], $0x2000  }
0x29b: {  	[sflag:s20] =	ssyncset.done $0x0  }
0x29c: {  	[sflag:s20] =	ssyncadd.s32 $0xFFFFE000  }
0x29d: {  	s1 =	simm.s32 $0x0;
	s7 =	simm.s32 $0x14B00;
	[bflag:$0x0] =	sbarrier.arrive $0xFFFF  }
.LBB2_14:
0x29e: {  	s8 =	sshll.u32 s1, $0x7;
	s10 =	rddreg [dreg:$0x7]  }
0x29f: {  	s10 =	sadd.s32 s10, s8  }
0x2a0: {  	s10 =	sshll.u32 s10, $0x6  }
0x2a1: {  	s10 =	sand.u32 $0x3FFFFFC0, s10  }
0x2a2: {  	s10 =	sadd.s32 s10, s3  }
0x2a3: {  	[tilespmem:s19], [sflag:$0x1] =	stream.linear.gather [spmem:s10], $0x2000, $0x38;
	[tilespmem:$0x18D90] =	vst v63  }
0x2a4: {  	_ =	swait.ge [sflag:s20], $0x2000  }
0x2a5: {  	[sflag:s20] =	ssyncset.done $0x0  }
0x2a6: {  	s15 =	simm.s32 $0x14DB0;
	[sflag:s20] =	ssyncadd.s32 $0xFFFFE000  }
0x2a7: {  	v2 =	vld [tilespmem:s15+$0xFFFFFFF0]  }
0x2a8: {  	s19 =	sadd.s32 $0x0, s7;
	v4 =	vld [tilespmem:s15+$0x10]  }
0x2a9: {  	v6 =	vld.msk [tilespmem:s19+$0x0 ss:$0x0], $0xffff  }
0x2aa: {  	v3 =	vld [tilespmem:s15+$0xFFFFFFE0]  }
0x2ab: {  	v7 =	vld [tilespmem:s15+$0x0];
	_ =	sdelay $0x3  }
0x2ac: {  	v3 =	vmul.f32 v6, v3;
	v5 =	vmul.f32 v4, v6  }
0x2ad: {  	s10 =	simm.s32 $0x14DB0;
	s19 =	simm.s32 $0x4;
	v4 =	vmul.f32 v2, v6;
	v2 =	vmul.f32 v7, v6  }
.LBB2_15:
0x2ae: {  	p0 =	sne.s32 s19, $0x1FC  }
0x2af: {  	[tilespmem:s15+$0x10] =	vst v5;
	s10 =	sadd.s32 $0x40, s10;
	s11 =	smov.u32 s19;
	s19 =	sadd.s32 $0x4, s19  }
0x2b0: {  	[tilespmem:s15+$0xFFFFFFE0] =	vst v3  }
0x2b1: {  	s11 =	sshra.s32 s11, $0x2;
	v6 =	vld [tilespmem:s10+$0xFFFFFFF0];
	[tilespmem:s15+$0xFFFFFFF0] =	vst v4  }
0x2b2: {  	s11 =	sadd.s32 s11, s7;
	v4 =	vld [tilespmem:s10+$0x10];
	[tilespmem:s15+$0x0] =	vst v2;
	s15 =	smov.u32 s10  }
0x2b3: {  	v2 =	vld.msk [tilespmem:s11+$0x0 ss:$0x0], $0xffff  }
0x2b4: {  	v3 =	vld [tilespmem:s10+$0xFFFFFFE0]  }
0x2b5: {  	v7 =	vld [tilespmem:s10+$0x0]  }
.Ltmp6:
0x2b6: {  	(pc) =	sbr.rel @p0 .LBB2_15-.Ltmp6, $3  }
0x2b7: {  	_ =	sdelay $0x1  }
0x2b8: {  	v5 =	vmul.f32 v4, v2;
	v3 =	vmul.f32 v2, v3  }
0x2b9: {  	v4 =	vmul.f32 v6, v2;
	v2 =	vmul.f32 v7, v2  }
0x2ba: {  	[tilespmem:s15+$0x10] =	vst v5;
	s10 =	rddreg [dreg:$0xe]  }
0x2bb: {  	[tilespmem:s15+$0xFFFFFFE0] =	vst v3;
	s1 =	sadd.s32 $0x1, s1;
	s8 =	sadd.s32 s8, s10  }
0x2bc: {  	s19 =	rddreg [dreg:$0x6];
	[tilespmem:s15+$0xFFFFFFF0] =	vst v4;
	p0 =	sne.s32 s1, $0x5;
	s8 =	sshll.u32 s8, $0x3  }
.Ltmp7:
0x2bd: {  	[tilespmem:s15+$0x0] =	vst v2;
	s8 =	sadd.s32 s19, s8;
	s19 =	simm.s32 $0x14D90;
	(pc) =	sbr.rel @p0 .LBB2_14-.Ltmp7, $4  }
0x2be: {  	[hbm4b:s8+s6] =	stream.linear.scatter [tilespmem:s19], [sflag:$0x1], $0x2000, $0x38;
	[tilespmem:$0x18D90] =	vst v63  }
0x2bf: {  	_ =	swait.ge [sflag:s20], $0x2000  }
0x2c0: {  	[sflag:s20] =	ssyncset.done $0x0  }
0x2c1: {  	s7 =	sadd.s32 $0x80, s7;
	[sflag:s20] =	ssyncadd.s32 $0xFFFFE000  }
0x2c2: {  	s7 =	rddreg [dreg:$0x10]  }
0x2c3: {  	s1 =	rddreg [dreg:$0xf];
	s7 =	sadd.s32 $0x1, s7  }
0x2c4: {  	p0 =	sne.s32 s7, s1  }
.Ltmp8:
0x2c5: {  	_ = 	snop;
	(pc) =	sbr.rel @p0 .LBB2_1-.Ltmp8, $2  }
0x2c6: {  	_ =	sdelay $0x2  }
0x2c7: {  	s11 =	rddreg [dreg:$0xd];
	s15 =	simm.s32 $0x14B00  }
0x2c8: {  	_ =	sfence.sel $0x180000  }
0x2c9: {  	[bflag:$0x0] =	sbarrier.arrive $0xFFFF  }
0x2ca: {  	_ =	strace $0x90000047  }
0x2cb: {  	s0 =	stileid.u32;
	[bflag:$0x2] =	sbarrier.arrive $0xFFFF  }
0x2cc: {  	p0 =	sne.s32 s0, $0x0;
	s0 =	rddreg [dreg:$0x5]  }
0x2cd: {  	s0 =	sadd.s32 @!p0 $0x100000, s0  }
0x2ce: {  	[sflag:s0] =	ssyncadd.tile.s32 @!p0 $0x1;
	_ =	shalt  }
.Lfunc_end2:
_tile_overlayer_lowered:
.L_overlay_start_2:
0x2cf: {  	(tag) =	ssettag $0x2  }
0x2d0: {  	s0 =	rddreg [dreg:$0x0];
	s2 =	stileid.u32  }
0x2d1: {  	s1 =	rddreg [dreg:$0x1];
	p0 =	sne.s32 s2, $0x0  }
0x2d2: {  	s3 =	rddreg [dreg:$0x2];
	[bflag:$0x3] =	sbarrier.arrive $0xFFFF;
	s2 =	simm.s32 @!p0 $0x1C01  }
0x2d3: {  	[timem:s3], [sflag:s2] =	dma.local @!p0 [hbm:s0], s1  }
0x2d4: {  	s0 =	simm.s32 @!p0 $0x1  }
0x2d5: {  	_ =	swait.ge @!p0 [sflag:s0], s1  }
0x2d6: {  	s1 =	ssub.s32 @!p0 $0x0, s1;
	[sflag:s0] =	ssyncset.done @!p0 $0x0  }
0x2d7: {  	[sflag:s0] =	ssyncadd.s32 @!p0 s1  }
0x2d8: {  	[bflag:$0x3] =	sbarrier.arrive $0xFFFF  }
0x2d9: {  	_ =	shalt  }

</sc_bundles>
